<compile_context>
chip_gen: v7x
topology: tpu7x:2x2x1
jax: 0.10.2.dev20260603
libtpu: 0.0.44.dev20260713+nightly
codegen_flags: <defaults>
</compile_context>

<pallas_src>
import functools

import jax
import jax.numpy as jnp
from jax import lax
from jax.experimental import pallas as pl
from jax.experimental.pallas import tpu as pltpu
from jax.experimental.pallas import tpu_sc as plsc

N = 10000
E = 320000
D = 128
NC = 2
NS = 16
NW = NC * NS
CH = 40
NCH = E // (CH * NW)
RPS = N // NS
DW = 16
ZR = 125
NBLK = 10
BR = N // NBLK


def _mesh():
    return plsc.VectorSubcoreMesh(
        core_axis_name="c", subcore_axis_name="s",
        num_cores=NC, num_subcores=NS)


@functools.partial(
    pl.kernel,
    out_type=(jax.ShapeDtypeStruct((NC, N, DW), jnp.float32),
              jax.ShapeDtypeStruct((NC, N, DW), jnp.float32)),
    mesh=_mesh(),
    compiler_params=pltpu.CompilerParams(use_tc_tiling_on_sc=False),
    scratch_types=[
        pltpu.VMEM((NCH, CH), jnp.int32),
        pltpu.VMEM((NCH, CH), jnp.int32),
        pltpu.VMEM((CH, DW), jnp.float32),
        pltpu.VMEM((RPS, DW), jnp.float32),
        pltpu.VMEM_SHARED((N, DW), jnp.float32),
        pltpu.VMEM_SHARED((N, DW), jnp.float32),
    ],
)
def _sc_degrees(src_hbm, dst_hbm, od_hbm, id_hbm,
                src_v, dst_v, ones_v, zbuf, od_sh, id_sh):
    c = lax.axis_index("c")
    s = lax.axis_index("s")
    wid = c * NS + s

    def fill_z(i, _):
        zbuf[i, :] = jnp.zeros((16,), jnp.float32)
        return 0
    lax.fori_loop(0, RPS, fill_z, 0)

    def fill_o(i, _):
        ones_v[i, :] = jnp.ones((16,), jnp.float32)
        return 0
    lax.fori_loop(0, CH, fill_o, 0)

    rb = s * RPS
    pltpu.sync_copy(zbuf, od_sh.at[pl.ds(rb, RPS)])
    pltpu.sync_copy(zbuf, id_sh.at[pl.ds(rb, RPS)])
    pltpu.sync_copy(src_hbm.at[wid], src_v)
    pltpu.sync_copy(dst_hbm.at[wid], dst_v)
    plsc.subcore_barrier()

    def body(j, _):
        pltpu.sync_copy(ones_v, od_sh.at[src_v.at[j]], add=True)
        pltpu.sync_copy(ones_v, id_sh.at[dst_v.at[j]], add=True)
        return 0
    lax.fori_loop(0, NCH, body, 0)
    plsc.subcore_barrier()

    @pl.when(s == 0)
    def _():
        pltpu.sync_copy(od_sh, od_hbm.at[c])
        pltpu.sync_copy(id_sh, id_hbm.at[c])


@functools.partial(
    pl.kernel,
    out_type=jax.ShapeDtypeStruct((NC, N, D), jnp.float32),
    mesh=_mesh(),
    compiler_params=pltpu.CompilerParams(use_tc_tiling_on_sc=False),
    scratch_types=[
        pltpu.VMEM((NCH, CH), jnp.int32),
        pltpu.VMEM((NCH, CH), jnp.int32),
        pltpu.VMEM((CH, D), jnp.float32),
        pltpu.VMEM((ZR, D), jnp.float32),
        pltpu.VMEM_SHARED((N, D), jnp.float32),
        pltpu.SemaphoreType.DMA,
    ],
)
def _sc_edge_agg(y_hbm, src_hbm, dst_hbm, out_hbm,
                 src_v, dst_v, rowbuf, zbuf, agg_sh, sem):
    c = lax.axis_index("c")
    s = lax.axis_index("s")
    wid = c * NS + s

    def fill_z(i, _):
        for k in range(D // 16):
            zbuf[i, pl.ds(k * 16, 16)] = jnp.zeros((16,), jnp.float32)
        return 0
    lax.fori_loop(0, ZR, fill_z, 0)

    rb = s * RPS
    for k in range(RPS // ZR):
        pltpu.sync_copy(zbuf, agg_sh.at[pl.ds(rb + k * ZR, ZR)])
    pltpu.sync_copy(src_hbm.at[wid], src_v)
    pltpu.sync_copy(dst_hbm.at[wid], dst_v)
    plsc.subcore_barrier()

    def body(j, _):
        pltpu.async_copy(y_hbm.at[src_v.at[j]], rowbuf, sem).wait()
        pltpu.sync_copy(rowbuf, agg_sh.at[dst_v.at[j]], add=True)
        return 0
    lax.fori_loop(0, NCH, body, 0)
    plsc.subcore_barrier()

    @pl.when(s == 0)
    def _():
        pltpu.sync_copy(agg_sh, out_hbm.at[c])


def _tc1_body(x_ref, od_ref, id_ref, w_ref, y_ref, ns_ref, nd_ref):
    od = od_ref[0, :, 0:1] + od_ref[1, :, 0:1]
    ind = id_ref[0, :, 0:1] + id_ref[1, :, 0:1]
    ns = lax.rsqrt(jnp.maximum(od, 1.0))
    nd = lax.rsqrt(jnp.maximum(ind, 1.0))
    y_ref[...] = jnp.dot(x_ref[...] * ns, w_ref[...],
                         preferred_element_type=jnp.float32)
    ns_ref[...] = ns
    nd_ref[...] = nd


_tc1 = pl.pallas_call(
    _tc1_body,
    grid=(NBLK,),
    in_specs=[
        pl.BlockSpec((BR, D), lambda i: (i, 0)),
        pl.BlockSpec((NC, BR, DW), lambda i: (0, i, 0)),
        pl.BlockSpec((NC, BR, DW), lambda i: (0, i, 0)),
        pl.BlockSpec((D, D), lambda i: (0, 0)),
    ],
    out_specs=[
        pl.BlockSpec((BR, D), lambda i: (i, 0)),
        pl.BlockSpec((BR, 1), lambda i: (i, 0)),
        pl.BlockSpec((BR, 1), lambda i: (i, 0)),
    ],
    out_shape=[
        jax.ShapeDtypeStruct((N, D), jnp.float32),
        jax.ShapeDtypeStruct((N, 1), jnp.float32),
        jax.ShapeDtypeStruct((N, 1), jnp.float32),
    ],
)


def _tc2_body(a_ref, nd_ref, ns_ref, b_ref, w_ref, y_ref):
    a = a_ref[0] + a_ref[1]
    h = jnp.maximum(a * nd_ref[...] + b_ref[...], 0.0)
    y_ref[...] = jnp.dot(h * ns_ref[...], w_ref[...],
                         preferred_element_type=jnp.float32)


_tc2 = pl.pallas_call(
    _tc2_body,
    grid=(NBLK,),
    in_specs=[
        pl.BlockSpec((NC, BR, D), lambda i: (0, i, 0)),
        pl.BlockSpec((BR, 1), lambda i: (i, 0)),
        pl.BlockSpec((BR, 1), lambda i: (i, 0)),
        pl.BlockSpec((1, D), lambda i: (0, 0)),
        pl.BlockSpec((D, D), lambda i: (0, 0)),
    ],
    out_specs=pl.BlockSpec((BR, D), lambda i: (i, 0)),
    out_shape=jax.ShapeDtypeStruct((N, D), jnp.float32),
)


def _tc3_body(a_ref, nd_ref, b_ref, w3_ref, b3_ref, o_ref, acc_ref):
    i = pl.program_id(0)
    a = a_ref[0] + a_ref[1]
    h = jnp.maximum(a * nd_ref[...] + b_ref[...], 0.0)
    p = jnp.sum(h, axis=0, keepdims=True)

    @pl.when(i == 0)
    def _():
        acc_ref[...] = jnp.zeros_like(acc_ref)

    acc_ref[...] += p

    @pl.when(i == NBLK - 1)
    def _():
        o_ref[...] = (jnp.sum(acc_ref[...] * (1.0 / N) * w3_ref[...],
                              axis=1, keepdims=True) + b3_ref[...])


_tc3 = pl.pallas_call(
    _tc3_body,
    grid=(NBLK,),
    in_specs=[
        pl.BlockSpec((NC, BR, D), lambda i: (0, i, 0)),
        pl.BlockSpec((BR, 1), lambda i: (i, 0)),
        pl.BlockSpec((1, D), lambda i: (0, 0)),
        pl.BlockSpec((1, D), lambda i: (0, 0)),
        pl.BlockSpec((1, 1), lambda i: (0, 0)),
    ],
    out_specs=pl.BlockSpec((1, 1), lambda i: (0, 0)),
    out_shape=jax.ShapeDtypeStruct((1, 1), jnp.float32),
    scratch_shapes=[pltpu.VMEM((1, D), jnp.float32)],
)


def kernel(x, edge_index, W1, b1, W2, b2, W3, b3):
    src3 = edge_index[0].reshape(NW, NCH, CH)
    dst3 = edge_index[1].reshape(NW, NCH, CH)
    od, ind = _sc_degrees(src3, dst3)
    y1, ns, nd = _tc1(x, od, ind, W1)
    agg1 = _sc_edge_agg(y1, src3, dst3)
    y2 = _tc2(agg1, nd, ns, b1.reshape(1, D), W2)
    agg2 = _sc_edge_agg(y2, src3, dst3)
    out = _tc3(agg2, nd, b2.reshape(1, D), W3.reshape(1, D),
               b3.reshape(1, 1))
    return out

# --- scband reference (transcript-rebuilt; emitter-appended) ---
"""Pipeline reference for scband-graph-regression-43250320670783 (READ-ONLY COPY).

The authoritative reference and input builder live on the scoring server;
editing this copy changes nothing except your own understanding.
"""

import jax, jax.numpy as jnp
import numpy as np

N_NODES = 10000
N_EDGES = 320000
IN_DIM = 128
HIDDEN = 128

def setup_inputs(seed: int = 0) -> dict:
    key = jax.random.key(seed)
    ks = jax.random.split(key, 8)
    x = jax.random.normal(ks[0], (N_NODES, IN_DIM), dtype=jnp.float32)
    edge_index = jax.random.randint(ks[1], (2, N_EDGES), 0, N_NODES, dtype=jnp.int64 if jax.config.jax_enable_x64 else jnp.int32).astype(jnp.int32)
    s1 = 1.0 / np.sqrt(IN_DIM)
    s2 = 1.0 / np.sqrt(HIDDEN)
    W1 = jax.random.uniform(ks[2], (IN_DIM, HIDDEN), jnp.float32, -s1, s1)
    b1 = jnp.zeros((HIDDEN,), jnp.float32)
    W2 = jax.random.uniform(ks[3], (HIDDEN, HIDDEN), jnp.float32, -s2, s2)
    b2 = jnp.zeros((HIDDEN,), jnp.float32)
    W3 = jax.random.uniform(ks[4], (HIDDEN, 1), jnp.float32, -s2, s2)
    b3 = jnp.zeros((1,), jnp.float32)
    return {"x": x, "edge_index": edge_index, "W1": W1, "b1": b1, "W2": W2, "b2": b2, "W3": W3, "b3": b3}

def _graph_conv(x, src, dst, n_nodes, W, b, activation=None):
    # DGL GraphConv with norm='both': D_dst^{-1/2} A D_src^{-1/2} X W + b
    ones = jnp.ones((src.shape[0],), jnp.float32)
    out_deg = jnp.zeros((n_nodes,), jnp.float32).at[src].add(ones)
    in_deg = jnp.zeros((n_nodes,), jnp.float32).at[dst].add(ones)
    norm_src = jax.lax.rsqrt(jnp.maximum(out_deg, 1.0))
    norm_dst = jax.lax.rsqrt(jnp.maximum(in_deg, 1.0))
    h = x * norm_src[:, None]
    h = h @ W
    msg = jnp.take(h, src, axis=0)
    agg = jnp.zeros((n_nodes, h.shape[1]), jnp.float32).at[dst].add(msg)
    agg = agg * norm_dst[:, None] + b
    if activation is not None:
        agg = activation(agg)
    return agg

def reference(x, edge_index, W1, b1, W2, b2, W3, b3):
    src = edge_index[0]
    dst = edge_index[1]
    n = x.shape[0]
    h = _graph_conv(x, src, dst, n, W1, b1, activation=jax.nn.relu)
    h = _graph_conv(h, src, dst, n, W2, b2, activation=None)
    h = jax.nn.relu(h)
    # dgl.mean_nodes over a single graph -> [1, hidden]
    hg = jnp.mean(h, axis=0, keepdims=True)
    out = hg @ W3 + b3
    return out

if __name__ == "__main__":
    import jax
    _d = setup_inputs()
    print(jax.jit(kernel)(*tuple(_d.values())))

</pallas_src>

<mosaic_0001>
#map = affine_map<(d0, d1) -> (0, 0, 0)>
module attributes {stable_mosaic.version = 14 : i64} {
  func.func @_sc_degrees(%arg0: i32, %arg1: i32, %arg2: memref<32x250x40xi32, #tpu.memory_space<hbm>>, %arg3: memref<32x250x40xi32, #tpu.memory_space<hbm>>, %arg4: memref<2x10000x16xf32, #tpu.memory_space<hbm>>, %arg5: memref<2x10000x16xf32, #tpu.memory_space<hbm>>, %arg6: memref<250x40xi32, #tpu.memory_space<vmem>>, %arg7: memref<250x40xi32, #tpu.memory_space<vmem>>, %arg8: memref<40x16xf32, #tpu.memory_space<vmem>>, %arg9: memref<625x16xf32, #tpu.memory_space<vmem>>, %arg10: memref<10000x16xf32, #tpu.memory_space<vmem_shared>>, %arg11: memref<10000x16xf32, #tpu.memory_space<vmem_shared>>) attributes {dimension_semantics = [#tpu.dimension_semantics<core_parallel>, #tpu.dimension_semantics<subcore_parallel>], iteration_bounds = array<i64: 2, 16>, scalar_prefetch = 0 : i64, scratch_operands = 6 : i64, tpu.core_type = #tpu.core_type<sc_vector_subcore>, window_params = [{transform_indices = #map}, {transform_indices = #map}, {transform_indices = #map}, {transform_indices = #map}]} {
    %mul3A = arith.constant 16 : i32
    %mul3A_0 = arith.muli %arg0, %mul3A : i32
    %add3A = arith.addi %mul3A_0, %arg1 : i32
    %scan3A = arith.constant 0 : i32
    %scan3A_1 = arith.constant 0 : i32
    %scan3A_2 = arith.constant 625 : i32
    %scan3A_3 = arith.addi %scan3A_1, %scan3A_2 : i32
    %scan3A_4 = arith.constant 1 : i32
    %scan3A_5 = scf.for %scan3A_26 = %scan3A_1 to %scan3A_3 step %scan3A_4 iter_args(%scan3A_27 = %scan3A) -> (i32)  : i32 {
      %broadcast_in_dim3A = arith.constant 0.000000e+00 : f32
      %broadcast_in_dim3A_28 = vector.broadcast %broadcast_in_dim3A : f32 to vector<16xf32>
      %swap3A = arith.index_cast %scan3A_26 : i32 to index
      %swap3A_29 = arith.constant 0 : index
      %swap3A_30 = tpu.vector_load %arg9[%swap3A, %swap3A_29] {strides = array<i32>} : memref<625x16xf32, #tpu.memory_space<vmem>>, vector<1x16xf32>,
      %swap3A_31 = vector.shape_cast %swap3A_30 : vector<1x16xf32> to vector<16xf32>
      %swap3A_32 = vector.shape_cast %broadcast_in_dim3A_28 : vector<16xf32> to vector<1x16xf32>
      tpu.vector_store %arg9[%swap3A, %swap3A_29], %swap3A_32 {strides = array<i32>} : memref<625x16xf32, #tpu.memory_space<vmem>>, vector<1x16xf32>,
      %scan3A_33 = arith.constant 0 : i32
      scf.yield %scan3A_33 : i32
    }
    %scan3A_6 = arith.constant 625 : i32
    %scan3A_7 = arith.constant 0 : i32
    %scan3A_8 = arith.constant 0 : i32
    %scan3A_9 = arith.constant 40 : i32
    %scan3A_10 = arith.addi %scan3A_8, %scan3A_9 : i32
    %scan3A_11 = arith.constant 1 : i32
    %scan3A_12 = scf.for %scan3A_26 = %scan3A_8 to %scan3A_10 step %scan3A_11 iter_args(%scan3A_27 = %scan3A_7) -> (i32)  : i32 {
      %broadcast_in_dim3A = arith.constant 1.000000e+00 : f32
      %broadcast_in_dim3A_28 = vector.broadcast %broadcast_in_dim3A : f32 to vector<16xf32>
      %swap3A = arith.index_cast %scan3A_26 : i32 to index
      %swap3A_29 = arith.constant 0 : index
      %swap3A_30 = tpu.vector_load %arg8[%swap3A, %swap3A_29] {strides = array<i32>} : memref<40x16xf32, #tpu.memory_space<vmem>>, vector<1x16xf32>,
      %swap3A_31 = vector.shape_cast %swap3A_30 : vector<1x16xf32> to vector<16xf32>
      %swap3A_32 = vector.shape_cast %broadcast_in_dim3A_28 : vector<16xf32> to vector<1x16xf32>
      tpu.vector_store %arg8[%swap3A, %swap3A_29], %swap3A_32 {strides = array<i32>} : memref<40x16xf32, #tpu.memory_space<vmem>>, vector<1x16xf32>,
      %scan3A_33 = arith.constant 0 : i32
      scf.yield %scan3A_33 : i32
    }
    %scan3A_13 = arith.constant 40 : i32
    %mul3A_14 = arith.constant 625 : i32
    %mul3A_15 = arith.muli %arg1, %mul3A_14 : i32
    "tpu.region"() ({
      %run_scoped3A = tpu.sem_alloc : memref<!tpu.dma_semaphore, #tpu.memory_space<semaphore_mem>>
      %dma_start3A = arith.constant 0 : i32
      %dma_start3A_26 = tpu.memref_slice %arg10[%mul3A_15, %dma_start3A] : memref<10000x16xf32, #tpu.memory_space<vmem_shared>> -> memref<625x16xf32, #tpu.memory_space<vmem_shared>>
      %dma_start3A_27 = arith.constant 0 : i32
      %dma_start3A_28 = tpu.memref_slice %arg10[%mul3A_15, %dma_start3A_27] : memref<10000x16xf32, #tpu.memory_space<vmem_shared>> -> memref<625x16xf32, #tpu.memory_space<vmem_shared>>
      tpu.enqueue_dma source(%arg9 : memref<625x16xf32, #tpu.memory_space<vmem>>) target(%dma_start3A_28 : memref<625x16xf32, #tpu.memory_space<vmem_shared>>) target_semaphore(%run_scoped3A : memref<!tpu.dma_semaphore, #tpu.memory_space<semaphore_mem>>)
      %dma_wait3A = arith.constant 0 : i32
      %dma_wait3A_29 = tpu.memref_slice %arg10[%mul3A_15, %dma_wait3A] : memref<10000x16xf32, #tpu.memory_space<vmem_shared>> -> memref<625x16xf32, #tpu.memory_space<vmem_shared>>
      %dma_wait3A_30 = arith.constant 0 : i32
      %dma_wait3A_31 = tpu.memref_slice %arg10[%mul3A_15, %dma_wait3A_30] : memref<10000x16xf32, #tpu.memory_space<vmem_shared>> -> memref<625x16xf32, #tpu.memory_space<vmem_shared>>
      tpu.wait_dma2 semaphore(%run_scoped3A : memref<!tpu.dma_semaphore, #tpu.memory_space<semaphore_mem>>) src(%arg9 : memref<625x16xf32, #tpu.memory_space<vmem>>) dst(%dma_wait3A_31 : memref<625x16xf32, #tpu.memory_space<vmem_shared>>)
      tpu.yield
    }) : () -> ()
    "tpu.region"() ({
      %run_scoped3A = tpu.sem_alloc : memref<!tpu.dma_semaphore, #tpu.memory_space<semaphore_mem>>
      %dma_start3A = arith.constant 0 : i32
      %dma_start3A_26 = tpu.memref_slice %arg11[%mul3A_15, %dma_start3A] : memref<10000x16xf32, #tpu.memory_space<vmem_shared>> -> memref<625x16xf32, #tpu.memory_space<vmem_shared>>
      %dma_start3A_27 = arith.constant 0 : i32
      %dma_start3A_28 = tpu.memref_slice %arg11[%mul3A_15, %dma_start3A_27] : memref<10000x16xf32, #tpu.memory_space<vmem_shared>> -> memref<625x16xf32, #tpu.memory_space<vmem_shared>>
      tpu.enqueue_dma source(%arg9 : memref<625x16xf32, #tpu.memory_space<vmem>>) target(%dma_start3A_28 : memref<625x16xf32, #tpu.memory_space<vmem_shared>>) target_semaphore(%run_scoped3A : memref<!tpu.dma_semaphore, #tpu.memory_space<semaphore_mem>>)
      %dma_wait3A = arith.constant 0 : i32
      %dma_wait3A_29 = tpu.memref_slice %arg11[%mul3A_15, %dma_wait3A] : memref<10000x16xf32, #tpu.memory_space<vmem_shared>> -> memref<625x16xf32, #tpu.memory_space<vmem_shared>>
      %dma_wait3A_30 = arith.constant 0 : i32
      %dma_wait3A_31 = tpu.memref_slice %arg11[%mul3A_15, %dma_wait3A_30] : memref<10000x16xf32, #tpu.memory_space<vmem_shared>> -> memref<625x16xf32, #tpu.memory_space<vmem_shared>>
      tpu.wait_dma2 semaphore(%run_scoped3A : memref<!tpu.dma_semaphore, #tpu.memory_space<semaphore_mem>>) src(%arg9 : memref<625x16xf32, #tpu.memory_space<vmem>>) dst(%dma_wait3A_31 : memref<625x16xf32, #tpu.memory_space<vmem_shared>>)
      tpu.yield
    }) : () -> ()
    "tpu.region"() ({
      %run_scoped3A = tpu.sem_alloc : memref<!tpu.dma_semaphore, #tpu.memory_space<semaphore_mem>>
      %dma_start3A = arith.constant 0 : i32
      %dma_start3A_26 = arith.constant 0 : i32
      %dma_start3A_27 = tpu.memref_slice %arg2[%add3A, %dma_start3A, %dma_start3A_26] : memref<32x250x40xi32, #tpu.memory_space<hbm>> -> memref<1x250x40xi32, #tpu.memory_space<hbm>>
      %dma_start3A_28 = tpu.memref_squeeze %dma_start3A_27 : memref<1x250x40xi32, #tpu.memory_space<hbm>> -> memref<250x40xi32, #tpu.memory_space<hbm>>
      %dma_start3A_29 = arith.constant 0 : i32
      %dma_start3A_30 = arith.constant 0 : i32
      %dma_start3A_31 = tpu.memref_slice %arg2[%add3A, %dma_start3A_29, %dma_start3A_30] : memref<32x250x40xi32, #tpu.memory_space<hbm>> -> memref<1x250x40xi32, #tpu.memory_space<hbm>>
      %dma_start3A_32 = tpu.memref_squeeze %dma_start3A_31 : memref<1x250x40xi32, #tpu.memory_space<hbm>> -> memref<250x40xi32, #tpu.memory_space<hbm>>
      tpu.enqueue_dma source(%dma_start3A_32 : memref<250x40xi32, #tpu.memory_space<hbm>>) target(%arg6 : memref<250x40xi32, #tpu.memory_space<vmem>>) target_semaphore(%run_scoped3A : memref<!tpu.dma_semaphore, #tpu.memory_space<semaphore_mem>>)
      %dma_wait3A = arith.constant 0 : i32
      %dma_wait3A_33 = arith.constant 0 : i32
      %dma_wait3A_34 = tpu.memref_slice %arg2[%add3A, %dma_wait3A, %dma_wait3A_33] : memref<32x250x40xi32, #tpu.memory_space<hbm>> -> memref<1x250x40xi32, #tpu.memory_space<hbm>>
      %dma_wait3A_35 = tpu.memref_squeeze %dma_wait3A_34 : memref<1x250x40xi32, #tpu.memory_space<hbm>> -> memref<250x40xi32, #tpu.memory_space<hbm>>
      %dma_wait3A_36 = arith.constant 0 : i32
      %dma_wait3A_37 = arith.constant 0 : i32
      %dma_wait3A_38 = tpu.memref_slice %arg2[%add3A, %dma_wait3A_36, %dma_wait3A_37] : memref<32x250x40xi32, #tpu.memory_space<hbm>> -> memref<1x250x40xi32, #tpu.memory_space<hbm>>
      %dma_wait3A_39 = tpu.memref_squeeze %dma_wait3A_38 : memref<1x250x40xi32, #tpu.memory_space<hbm>> -> memref<250x40xi32, #tpu.memory_space<hbm>>
      tpu.wait_dma2 semaphore(%run_scoped3A : memref<!tpu.dma_semaphore, #tpu.memory_space<semaphore_mem>>) src(%dma_wait3A_39 : memref<250x40xi32, #tpu.memory_space<hbm>>) dst(%arg6 : memref<250x40xi32, #tpu.memory_space<vmem>>)
      tpu.yield
    }) : () -> ()
    "tpu.region"() ({
      %run_scoped3A = tpu.sem_alloc : memref<!tpu.dma_semaphore, #tpu.memory_space<semaphore_mem>>
      %dma_start3A = arith.constant 0 : i32
      %dma_start3A_26 = arith.constant 0 : i32
      %dma_start3A_27 = tpu.memref_slice %arg3[%add3A, %dma_start3A, %dma_start3A_26] : memref<32x250x40xi32, #tpu.memory_space<hbm>> -> memref<1x250x40xi32, #tpu.memory_space<hbm>>
      %dma_start3A_28 = tpu.memref_squeeze %dma_start3A_27 : memref<1x250x40xi32, #tpu.memory_space<hbm>> -> memref<250x40xi32, #tpu.memory_space<hbm>>
      %dma_start3A_29 = arith.constant 0 : i32
      %dma_start3A_30 = arith.constant 0 : i32
      %dma_start3A_31 = tpu.memref_slice %arg3[%add3A, %dma_start3A_29, %dma_start3A_30] : memref<32x250x40xi32, #tpu.memory_space<hbm>> -> memref<1x250x40xi32, #tpu.memory_space<hbm>>
      %dma_start3A_32 = tpu.memref_squeeze %dma_start3A_31 : memref<1x250x40xi32, #tpu.memory_space<hbm>> -> memref<250x40xi32, #tpu.memory_space<hbm>>
      tpu.enqueue_dma source(%dma_start3A_32 : memref<250x40xi32, #tpu.memory_space<hbm>>) target(%arg7 : memref<250x40xi32, #tpu.memory_space<vmem>>) target_semaphore(%run_scoped3A : memref<!tpu.dma_semaphore, #tpu.memory_space<semaphore_mem>>)
      %dma_wait3A = arith.constant 0 : i32
      %dma_wait3A_33 = arith.constant 0 : i32
      %dma_wait3A_34 = tpu.memref_slice %arg3[%add3A, %dma_wait3A, %dma_wait3A_33] : memref<32x250x40xi32, #tpu.memory_space<hbm>> -> memref<1x250x40xi32, #tpu.memory_space<hbm>>
      %dma_wait3A_35 = tpu.memref_squeeze %dma_wait3A_34 : memref<1x250x40xi32, #tpu.memory_space<hbm>> -> memref<250x40xi32, #tpu.memory_space<hbm>>
      %dma_wait3A_36 = arith.constant 0 : i32
      %dma_wait3A_37 = arith.constant 0 : i32
      %dma_wait3A_38 = tpu.memref_slice %arg3[%add3A, %dma_wait3A_36, %dma_wait3A_37] : memref<32x250x40xi32, #tpu.memory_space<hbm>> -> memref<1x250x40xi32, #tpu.memory_space<hbm>>
      %dma_wait3A_39 = tpu.memref_squeeze %dma_wait3A_38 : memref<1x250x40xi32, #tpu.memory_space<hbm>> -> memref<250x40xi32, #tpu.memory_space<hbm>>
      tpu.wait_dma2 semaphore(%run_scoped3A : memref<!tpu.dma_semaphore, #tpu.memory_space<semaphore_mem>>) src(%dma_wait3A_39 : memref<250x40xi32, #tpu.memory_space<hbm>>) dst(%arg7 : memref<250x40xi32, #tpu.memory_space<vmem>>)
      tpu.yield
    }) : () -> ()
    %barrier3A = arith.constant 0 : index
    tpu.barrier barrier_id(%barrier3A)
    %scan3A_16 = arith.constant 0 : i32
    %scan3A_17 = arith.constant 0 : i32
    %scan3A_18 = arith.constant 250 : i32
    %scan3A_19 = arith.addi %scan3A_17, %scan3A_18 : i32
    %scan3A_20 = arith.constant 1 : i32
    %scan3A_21 = scf.for %scan3A_26 = %scan3A_17 to %scan3A_19 step %scan3A_20 iter_args(%scan3A_27 = %scan3A_16) -> (i32)  : i32 {
      "tpu.region"() ({
        %run_scoped3A = tpu.sem_alloc : memref<!tpu.dma_semaphore, #tpu.memory_space<semaphore_mem>>
        %dma_start3A = arith.constant 0 : i32
        %dma_start3A_29 = tpu.memref_slice %arg6[%scan3A_26, %dma_start3A] : memref<250x40xi32, #tpu.memory_space<vmem>> -> memref<1x40xi32, #tpu.memory_space<vmem>>
        %dma_start3A_30 = tpu.memref_squeeze %dma_start3A_29 : memref<1x40xi32, #tpu.memory_space<vmem>> -> memref<40xi32, #tpu.memory_space<vmem>>
        %dma_start3A_31 = arith.constant 0 : i32
        %dma_start3A_32 = arith.constant 0 : i32
        %dma_start3A_33 = tpu.memref_slice %arg10[%dma_start3A_31, %dma_start3A_32] : memref<10000x16xf32, #tpu.memory_space<vmem_shared>> -> memref<10000x16xf32, #tpu.memory_space<vmem_shared>>
        tpu.enqueue_indirect_dma source(%arg8 : memref<40x16xf32, #tpu.memory_space<vmem>>) target(%dma_start3A_33 : memref<10000x16xf32, #tpu.memory_space<vmem_shared>>) offsets(%dma_start3A_30 : memref<40xi32, #tpu.memory_space<vmem>>) semaphore(%run_scoped3A : memref<!tpu.dma_semaphore, #tpu.memory_space<semaphore_mem>>) {add = true}
        %dma_wait3A = arith.constant 0 : i32
        %dma_wait3A_34 = tpu.memref_slice %arg6[%scan3A_26, %dma_wait3A] : memref<250x40xi32, #tpu.memory_space<vmem>> -> memref<1x40xi32, #tpu.memory_space<vmem>>
        %dma_wait3A_35 = tpu.memref_squeeze %dma_wait3A_34 : memref<1x40xi32, #tpu.memory_space<vmem>> -> memref<40xi32, #tpu.memory_space<vmem>>
        %dma_wait3A_36 = arith.constant 0 : i32
        %dma_wait3A_37 = arith.constant 0 : i32
        %dma_wait3A_38 = tpu.memref_slice %arg10[%dma_wait3A_36, %dma_wait3A_37] : memref<10000x16xf32, #tpu.memory_space<vmem_shared>> -> memref<10000x16xf32, #tpu.memory_space<vmem_shared>>
        tpu.wait_indirect_dma semaphore(%run_scoped3A : memref<!tpu.dma_semaphore, #tpu.memory_space<semaphore_mem>>) src(%arg8 : memref<40x16xf32, #tpu.memory_space<vmem>>) dst(%dma_wait3A_38 : memref<10000x16xf32, #tpu.memory_space<vmem_shared>>)
        tpu.yield
      }) : () -> ()
      "tpu.region"() ({
        %run_scoped3A = tpu.sem_alloc : memref<!tpu.dma_semaphore, #tpu.memory_space<semaphore_mem>>
        %dma_start3A = arith.constant 0 : i32
        %dma_start3A_29 = tpu.memref_slice %arg7[%scan3A_26, %dma_start3A] : memref<250x40xi32, #tpu.memory_space<vmem>> -> memref<1x40xi32, #tpu.memory_space<vmem>>
        %dma_start3A_30 = tpu.memref_squeeze %dma_start3A_29 : memref<1x40xi32, #tpu.memory_space<vmem>> -> memref<40xi32, #tpu.memory_space<vmem>>
        %dma_start3A_31 = arith.constant 0 : i32
        %dma_start3A_32 = arith.constant 0 : i32
        %dma_start3A_33 = tpu.memref_slice %arg11[%dma_start3A_31, %dma_start3A_32] : memref<10000x16xf32, #tpu.memory_space<vmem_shared>> -> memref<10000x16xf32, #tpu.memory_space<vmem_shared>>
        tpu.enqueue_indirect_dma source(%arg8 : memref<40x16xf32, #tpu.memory_space<vmem>>) target(%dma_start3A_33 : memref<10000x16xf32, #tpu.memory_space<vmem_shared>>) offsets(%dma_start3A_30 : memref<40xi32, #tpu.memory_space<vmem>>) semaphore(%run_scoped3A : memref<!tpu.dma_semaphore, #tpu.memory_space<semaphore_mem>>) {add = true}
        %dma_wait3A = arith.constant 0 : i32
        %dma_wait3A_34 = tpu.memref_slice %arg7[%scan3A_26, %dma_wait3A] : memref<250x40xi32, #tpu.memory_space<vmem>> -> memref<1x40xi32, #tpu.memory_space<vmem>>
        %dma_wait3A_35 = tpu.memref_squeeze %dma_wait3A_34 : memref<1x40xi32, #tpu.memory_space<vmem>> -> memref<40xi32, #tpu.memory_space<vmem>>
        %dma_wait3A_36 = arith.constant 0 : i32
        %dma_wait3A_37 = arith.constant 0 : i32
        %dma_wait3A_38 = tpu.memref_slice %arg11[%dma_wait3A_36, %dma_wait3A_37] : memref<10000x16xf32, #tpu.memory_space<vmem_shared>> -> memref<10000x16xf32, #tpu.memory_space<vmem_shared>>
        tpu.wait_indirect_dma semaphore(%run_scoped3A : memref<!tpu.dma_semaphore, #tpu.memory_space<semaphore_mem>>) src(%arg8 : memref<40x16xf32, #tpu.memory_space<vmem>>) dst(%dma_wait3A_38 : memref<10000x16xf32, #tpu.memory_space<vmem_shared>>)
        tpu.yield
      }) : () -> ()
      %scan3A_28 = arith.constant 0 : i32
      scf.yield %scan3A_28 : i32
    }
    %scan3A_22 = arith.constant 250 : i32
    %barrier3A_23 = arith.constant 0 : index
    tpu.barrier barrier_id(%barrier3A_23)
    %eq3A = arith.constant 0 : i32
    %eq3A_24 = arith.cmpi eq, %arg1, %eq3A : i32
    %convert_element_type3A = arith.extui %eq3A_24 : i1 to i32
    %cond3A = arith.constant 0 : i32
    %cond3A_25 = arith.cmpi ne, %convert_element_type3A, %cond3A : i32
    scf.if %cond3A_25 {
      "tpu.region"() ({
        %run_scoped3A = tpu.sem_alloc : memref<!tpu.dma_semaphore, #tpu.memory_space<semaphore_mem>>
        %dma_start3A = arith.constant 0 : i32
        %dma_start3A_26 = arith.constant 0 : i32
        %dma_start3A_27 = tpu.memref_slice %arg4[%arg0, %dma_start3A, %dma_start3A_26] : memref<2x10000x16xf32, #tpu.memory_space<hbm>> -> memref<1x10000x16xf32, #tpu.memory_space<hbm>>
        %dma_start3A_28 = tpu.memref_squeeze %dma_start3A_27 : memref<1x10000x16xf32, #tpu.memory_space<hbm>> -> memref<10000x16xf32, #tpu.memory_space<hbm>>
        tpu.enqueue_dma source(%arg10 : memref<10000x16xf32, #tpu.memory_space<vmem_shared>>) target(%dma_start3A_28 : memref<10000x16xf32, #tpu.memory_space<hbm>>) target_semaphore(%run_scoped3A : memref<!tpu.dma_semaphore, #tpu.memory_space<semaphore_mem>>)
        %dma_wait3A = arith.constant 0 : i32
        %dma_wait3A_29 = arith.constant 0 : i32
        %dma_wait3A_30 = tpu.memref_slice %arg4[%arg0, %dma_wait3A, %dma_wait3A_29] : memref<2x10000x16xf32, #tpu.memory_space<hbm>> -> memref<1x10000x16xf32, #tpu.memory_space<hbm>>
        %dma_wait3A_31 = tpu.memref_squeeze %dma_wait3A_30 : memref<1x10000x16xf32, #tpu.memory_space<hbm>> -> memref<10000x16xf32, #tpu.memory_space<hbm>>
        tpu.wait_dma2 semaphore(%run_scoped3A : memref<!tpu.dma_semaphore, #tpu.memory_space<semaphore_mem>>) src(%arg10 : memref<10000x16xf32, #tpu.memory_space<vmem_shared>>) dst(%dma_wait3A_31 : memref<10000x16xf32, #tpu.memory_space<hbm>>)
        tpu.yield
      }) : () -> ()
      "tpu.region"() ({
        %run_scoped3A = tpu.sem_alloc : memref<!tpu.dma_semaphore, #tpu.memory_space<semaphore_mem>>
        %dma_start3A = arith.constant 0 : i32
        %dma_start3A_26 = arith.constant 0 : i32
        %dma_start3A_27 = tpu.memref_slice %arg5[%arg0, %dma_start3A, %dma_start3A_26] : memref<2x10000x16xf32, #tpu.memory_space<hbm>> -> memref<1x10000x16xf32, #tpu.memory_space<hbm>>
        %dma_start3A_28 = tpu.memref_squeeze %dma_start3A_27 : memref<1x10000x16xf32, #tpu.memory_space<hbm>> -> memref<10000x16xf32, #tpu.memory_space<hbm>>
        tpu.enqueue_dma source(%arg11 : memref<10000x16xf32, #tpu.memory_space<vmem_shared>>) target(%dma_start3A_28 : memref<10000x16xf32, #tpu.memory_space<hbm>>) target_semaphore(%run_scoped3A : memref<!tpu.dma_semaphore, #tpu.memory_space<semaphore_mem>>)
        %dma_wait3A = arith.constant 0 : i32
        %dma_wait3A_29 = arith.constant 0 : i32
        %dma_wait3A_30 = tpu.memref_slice %arg5[%arg0, %dma_wait3A, %dma_wait3A_29] : memref<2x10000x16xf32, #tpu.memory_space<hbm>> -> memref<1x10000x16xf32, #tpu.memory_space<hbm>>
        %dma_wait3A_31 = tpu.memref_squeeze %dma_wait3A_30 : memref<1x10000x16xf32, #tpu.memory_space<hbm>> -> memref<10000x16xf32, #tpu.memory_space<hbm>>
        tpu.wait_dma2 semaphore(%run_scoped3A : memref<!tpu.dma_semaphore, #tpu.memory_space<semaphore_mem>>) src(%arg11 : memref<10000x16xf32, #tpu.memory_space<vmem_shared>>) dst(%dma_wait3A_31 : memref<10000x16xf32, #tpu.memory_space<hbm>>)
        tpu.yield
      }) : () -> ()
    } else {
    }
    return
  }
}

#map = affine_map<(d0, d1) -> (0, 0)>
#map1 = affine_map<(d0, d1) -> (0, 0, 0)>
module attributes {stable_mosaic.version = 14 : i64} {
  func.func @_sc_edge_agg(%arg0: i32, %arg1: i32, %arg2: memref<10000x128xf32, #tpu.memory_space<hbm>>, %arg3: memref<32x250x40xi32, #tpu.memory_space<hbm>>, %arg4: memref<32x250x40xi32, #tpu.memory_space<hbm>>, %arg5: memref<2x10000x128xf32, #tpu.memory_space<hbm>>, %arg6: memref<250x40xi32, #tpu.memory_space<vmem>>, %arg7: memref<250x40xi32, #tpu.memory_space<vmem>>, %arg8: memref<40x128xf32, #tpu.memory_space<vmem>>, %arg9: memref<125x128xf32, #tpu.memory_space<vmem>>, %arg10: memref<10000x128xf32, #tpu.memory_space<vmem_shared>>, %arg11: memref<!tpu.dma_semaphore, #tpu.memory_space<semaphore_mem>>) attributes {dimension_semantics = [#tpu.dimension_semantics<core_parallel>, #tpu.dimension_semantics<subcore_parallel>], iteration_bounds = array<i64: 2, 16>, scalar_prefetch = 0 : i64, scratch_operands = 6 : i64, tpu.core_type = #tpu.core_type<sc_vector_subcore>, window_params = [{transform_indices = #map}, {transform_indices = #map1}, {transform_indices = #map1}, {transform_indices = #map1}]} {
    %mul3A = arith.constant 16 : i32
    %mul3A_0 = arith.muli %arg0, %mul3A : i32
    %add3A = arith.addi %mul3A_0, %arg1 : i32
    %scan3A = arith.constant 0 : i32
    %scan3A_1 = arith.constant 0 : i32
    %scan3A_2 = arith.constant 125 : i32
    %scan3A_3 = arith.addi %scan3A_1, %scan3A_2 : i32
    %scan3A_4 = arith.constant 1 : i32
    %scan3A_5 = scf.for %scan3A_29 = %scan3A_1 to %scan3A_3 step %scan3A_4 iter_args(%scan3A_30 = %scan3A) -> (i32)  : i32 {
      %broadcast_in_dim3A = arith.constant 0.000000e+00 : f32
      %broadcast_in_dim3A_31 = vector.broadcast %broadcast_in_dim3A : f32 to vector<16xf32>
      %swap3A = arith.index_cast %scan3A_29 : i32 to index
      %swap3A_32 = arith.constant 0 : index
      %swap3A_33 = tpu.vector_load %arg9[%swap3A, %swap3A_32] {strides = array<i32>} : memref<125x128xf32, #tpu.memory_space<vmem>>, vector<1x16xf32>,
      %swap3A_34 = vector.shape_cast %swap3A_33 : vector<1x16xf32> to vector<16xf32>
      %swap3A_35 = vector.shape_cast %broadcast_in_dim3A_31 : vector<16xf32> to vector<1x16xf32>
      tpu.vector_store %arg9[%swap3A, %swap3A_32], %swap3A_35 {strides = array<i32>} : memref<125x128xf32, #tpu.memory_space<vmem>>, vector<1x16xf32>,
      %broadcast_in_dim3A_36 = arith.constant 0.000000e+00 : f32
      %broadcast_in_dim3A_37 = vector.broadcast %broadcast_in_dim3A_36 : f32 to vector<16xf32>
      %swap3A_38 = arith.index_cast %scan3A_29 : i32 to index
      %swap3A_39 = arith.constant 16 : index
      %swap3A_40 = tpu.vector_load %arg9[%swap3A_38, %swap3A_39] {strides = array<i32>} : memref<125x128xf32, #tpu.memory_space<vmem>>, vector<1x16xf32>,
      %swap3A_41 = vector.shape_cast %swap3A_40 : vector<1x16xf32> to vector<16xf32>
      %swap3A_42 = vector.shape_cast %broadcast_in_dim3A_37 : vector<16xf32> to vector<1x16xf32>
      tpu.vector_store %arg9[%swap3A_38, %swap3A_39], %swap3A_42 {strides = array<i32>} : memref<125x128xf32, #tpu.memory_space<vmem>>, vector<1x16xf32>,
      %broadcast_in_dim3A_43 = arith.constant 0.000000e+00 : f32
      %broadcast_in_dim3A_44 = vector.broadcast %broadcast_in_dim3A_43 : f32 to vector<16xf32>
      %swap3A_45 = arith.index_cast %scan3A_29 : i32 to index
      %swap3A_46 = arith.constant 32 : index
      %swap3A_47 = tpu.vector_load %arg9[%swap3A_45, %swap3A_46] {strides = array<i32>} : memref<125x128xf32, #tpu.memory_space<vmem>>, vector<1x16xf32>,
      %swap3A_48 = vector.shape_cast %swap3A_47 : vector<1x16xf32> to vector<16xf32>
      %swap3A_49 = vector.shape_cast %broadcast_in_dim3A_44 : vector<16xf32> to vector<1x16xf32>
      tpu.vector_store %arg9[%swap3A_45, %swap3A_46], %swap3A_49 {strides = array<i32>} : memref<125x128xf32, #tpu.memory_space<vmem>>, vector<1x16xf32>,
      %broadcast_in_dim3A_50 = arith.constant 0.000000e+00 : f32
      %broadcast_in_dim3A_51 = vector.broadcast %broadcast_in_dim3A_50 : f32 to vector<16xf32>
      %swap3A_52 = arith.index_cast %scan3A_29 : i32 to index
      %swap3A_53 = arith.constant 48 : index
      %swap3A_54 = tpu.vector_load %arg9[%swap3A_52, %swap3A_53] {strides = array<i32>} : memref<125x128xf32, #tpu.memory_space<vmem>>, vector<1x16xf32>,
      %swap3A_55 = vector.shape_cast %swap3A_54 : vector<1x16xf32> to vector<16xf32>
      %swap3A_56 = vector.shape_cast %broadcast_in_dim3A_51 : vector<16xf32> to vector<1x16xf32>
      tpu.vector_store %arg9[%swap3A_52, %swap3A_53], %swap3A_56 {strides = array<i32>} : memref<125x128xf32, #tpu.memory_space<vmem>>, vector<1x16xf32>,
      %broadcast_in_dim3A_57 = arith.constant 0.000000e+00 : f32
      %broadcast_in_dim3A_58 = vector.broadcast %broadcast_in_dim3A_57 : f32 to vector<16xf32>
      %swap3A_59 = arith.index_cast %scan3A_29 : i32 to index
      %swap3A_60 = arith.constant 64 : index
      %swap3A_61 = tpu.vector_load %arg9[%swap3A_59, %swap3A_60] {strides = array<i32>} : memref<125x128xf32, #tpu.memory_space<vmem>>, vector<1x16xf32>,
      %swap3A_62 = vector.shape_cast %swap3A_61 : vector<1x16xf32> to vector<16xf32>
      %swap3A_63 = vector.shape_cast %broadcast_in_dim3A_58 : vector<16xf32> to vector<1x16xf32>
      tpu.vector_store %arg9[%swap3A_59, %swap3A_60], %swap3A_63 {strides = array<i32>} : memref<125x128xf32, #tpu.memory_space<vmem>>, vector<1x16xf32>,
      %broadcast_in_dim3A_64 = arith.constant 0.000000e+00 : f32
      %broadcast_in_dim3A_65 = vector.broadcast %broadcast_in_dim3A_64 : f32 to vector<16xf32>
      %swap3A_66 = arith.index_cast %scan3A_29 : i32 to index
      %swap3A_67 = arith.constant 80 : index
      %swap3A_68 = tpu.vector_load %arg9[%swap3A_66, %swap3A_67] {strides = array<i32>} : memref<125x128xf32, #tpu.memory_space<vmem>>, vector<1x16xf32>,
      %swap3A_69 = vector.shape_cast %swap3A_68 : vector<1x16xf32> to vector<16xf32>
      %swap3A_70 = vector.shape_cast %broadcast_in_dim3A_65 : vector<16xf32> to vector<1x16xf32>
      tpu.vector_store %arg9[%swap3A_66, %swap3A_67], %swap3A_70 {strides = array<i32>} : memref<125x128xf32, #tpu.memory_space<vmem>>, vector<1x16xf32>,
      %broadcast_in_dim3A_71 = arith.constant 0.000000e+00 : f32
      %broadcast_in_dim3A_72 = vector.broadcast %broadcast_in_dim3A_71 : f32 to vector<16xf32>
      %swap3A_73 = arith.index_cast %scan3A_29 : i32 to index
      %swap3A_74 = arith.constant 96 : index
      %swap3A_75 = tpu.vector_load %arg9[%swap3A_73, %swap3A_74] {strides = array<i32>} : memref<125x128xf32, #tpu.memory_space<vmem>>, vector<1x16xf32>,
      %swap3A_76 = vector.shape_cast %swap3A_75 : vector<1x16xf32> to vector<16xf32>
      %swap3A_77 = vector.shape_cast %broadcast_in_dim3A_72 : vector<16xf32> to vector<1x16xf32>
      tpu.vector_store %arg9[%swap3A_73, %swap3A_74], %swap3A_77 {strides = array<i32>} : memref<125x128xf32, #tpu.memory_space<vmem>>, vector<1x16xf32>,
      %broadcast_in_dim3A_78 = arith.constant 0.000000e+00 : f32
      %broadcast_in_dim3A_79 = vector.broadcast %broadcast_in_dim3A_78 : f32 to vector<16xf32>
      %swap3A_80 = arith.index_cast %scan3A_29 : i32 to index
      %swap3A_81 = arith.constant 112 : index
      %swap3A_82 = tpu.vector_load %arg9[%swap3A_80, %swap3A_81] {strides = array<i32>} : memref<125x128xf32, #tpu.memory_space<vmem>>, vector<1x16xf32>,
      %swap3A_83 = vector.shape_cast %swap3A_82 : vector<1x16xf32> to vector<16xf32>
      %swap3A_84 = vector.shape_cast %broadcast_in_dim3A_79 : vector<16xf32> to vector<1x16xf32>
      tpu.vector_store %arg9[%swap3A_80, %swap3A_81], %swap3A_84 {strides = array<i32>} : memref<125x128xf32, #tpu.memory_space<vmem>>, vector<1x16xf32>,
      %scan3A_85 = arith.constant 0 : i32
      scf.yield %scan3A_85 : i32
    }
    %scan3A_6 = arith.constant 125 : i32
    %mul3A_7 = arith.constant 625 : i32
    %mul3A_8 = arith.muli %arg1, %mul3A_7 : i32
    %add3A_9 = arith.constant 0 : i32
    %add3A_10 = arith.addi %mul3A_8, %add3A_9 : i32
    "tpu.region"() ({
      %run_scoped3A = tpu.sem_alloc : memref<!tpu.dma_semaphore, #tpu.memory_space<semaphore_mem>>
      %dma_start3A = arith.constant 0 : i32
      %dma_start3A_29 = tpu.memref_slice %arg10[%add3A_10, %dma_start3A] : memref<10000x128xf32, #tpu.memory_space<vmem_shared>> -> memref<125x128xf32, #tpu.memory_space<vmem_shared>>
      %dma_start3A_30 = arith.constant 0 : i32
      %dma_start3A_31 = tpu.memref_slice %arg10[%add3A_10, %dma_start3A_30] : memref<10000x128xf32, #tpu.memory_space<vmem_shared>> -> memref<125x128xf32, #tpu.memory_space<vmem_shared>>
      tpu.enqueue_dma source(%arg9 : memref<125x128xf32, #tpu.memory_space<vmem>>) target(%dma_start3A_31 : memref<125x128xf32, #tpu.memory_space<vmem_shared>>) target_semaphore(%run_scoped3A : memref<!tpu.dma_semaphore, #tpu.memory_space<semaphore_mem>>)
      %dma_wait3A = arith.constant 0 : i32
      %dma_wait3A_32 = tpu.memref_slice %arg10[%add3A_10, %dma_wait3A] : memref<10000x128xf32, #tpu.memory_space<vmem_shared>> -> memref<125x128xf32, #tpu.memory_space<vmem_shared>>
      %dma_wait3A_33 = arith.constant 0 : i32
      %dma_wait3A_34 = tpu.memref_slice %arg10[%add3A_10, %dma_wait3A_33] : memref<10000x128xf32, #tpu.memory_space<vmem_shared>> -> memref<125x128xf32, #tpu.memory_space<vmem_shared>>
      tpu.wait_dma2 semaphore(%run_scoped3A : memref<!tpu.dma_semaphore, #tpu.memory_space<semaphore_mem>>) src(%arg9 : memref<125x128xf32, #tpu.memory_space<vmem>>) dst(%dma_wait3A_34 : memref<125x128xf32, #tpu.memory_space<vmem_shared>>)
      tpu.yield
    }) : () -> ()
    %add3A_11 = arith.constant 125 : i32
    %add3A_12 = arith.addi %mul3A_8, %add3A_11 : i32
    "tpu.region"() ({
      %run_scoped3A = tpu.sem_alloc : memref<!tpu.dma_semaphore, #tpu.memory_space<semaphore_mem>>
      %dma_start3A = arith.constant 0 : i32
      %dma_start3A_29 = tpu.memref_slice %arg10[%add3A_12, %dma_start3A] : memref<10000x128xf32, #tpu.memory_space<vmem_shared>> -> memref<125x128xf32, #tpu.memory_space<vmem_shared>>
      %dma_start3A_30 = arith.constant 0 : i32
      %dma_start3A_31 = tpu.memref_slice %arg10[%add3A_12, %dma_start3A_30] : memref<10000x128xf32, #tpu.memory_space<vmem_shared>> -> memref<125x128xf32, #tpu.memory_space<vmem_shared>>
      tpu.enqueue_dma source(%arg9 : memref<125x128xf32, #tpu.memory_space<vmem>>) target(%dma_start3A_31 : memref<125x128xf32, #tpu.memory_space<vmem_shared>>) target_semaphore(%run_scoped3A : memref<!tpu.dma_semaphore, #tpu.memory_space<semaphore_mem>>)
      %dma_wait3A = arith.constant 0 : i32
      %dma_wait3A_32 = tpu.memref_slice %arg10[%add3A_12, %dma_wait3A] : memref<10000x128xf32, #tpu.memory_space<vmem_shared>> -> memref<125x128xf32, #tpu.memory_space<vmem_shared>>
      %dma_wait3A_33 = arith.constant 0 : i32
      %dma_wait3A_34 = tpu.memref_slice %arg10[%add3A_12, %dma_wait3A_33] : memref<10000x128xf32, #tpu.memory_space<vmem_shared>> -> memref<125x128xf32, #tpu.memory_space<vmem_shared>>
      tpu.wait_dma2 semaphore(%run_scoped3A : memref<!tpu.dma_semaphore, #tpu.memory_space<semaphore_mem>>) src(%arg9 : memref<125x128xf32, #tpu.memory_space<vmem>>) dst(%dma_wait3A_34 : memref<125x128xf32, #tpu.memory_space<vmem_shared>>)
      tpu.yield
    }) : () -> ()
    %add3A_13 = arith.constant 250 : i32
    %add3A_14 = arith.addi %mul3A_8, %add3A_13 : i32
    "tpu.region"() ({
      %run_scoped3A = tpu.sem_alloc : memref<!tpu.dma_semaphore, #tpu.memory_space<semaphore_mem>>
      %dma_start3A = arith.constant 0 : i32
      %dma_start3A_29 = tpu.memref_slice %arg10[%add3A_14, %dma_start3A] : memref<10000x128xf32, #tpu.memory_space<vmem_shared>> -> memref<125x128xf32, #tpu.memory_space<vmem_shared>>
      %dma_start3A_30 = arith.constant 0 : i32
      %dma_start3A_31 = tpu.memref_slice %arg10[%add3A_14, %dma_start3A_30] : memref<10000x128xf32, #tpu.memory_space<vmem_shared>> -> memref<125x128xf32, #tpu.memory_space<vmem_shared>>
      tpu.enqueue_dma source(%arg9 : memref<125x128xf32, #tpu.memory_space<vmem>>) target(%dma_start3A_31 : memref<125x128xf32, #tpu.memory_space<vmem_shared>>) target_semaphore(%run_scoped3A : memref<!tpu.dma_semaphore, #tpu.memory_space<semaphore_mem>>)
      %dma_wait3A = arith.constant 0 : i32
      %dma_wait3A_32 = tpu.memref_slice %arg10[%add3A_14, %dma_wait3A] : memref<10000x128xf32, #tpu.memory_space<vmem_shared>> -> memref<125x128xf32, #tpu.memory_space<vmem_shared>>
      %dma_wait3A_33 = arith.constant 0 : i32
      %dma_wait3A_34 = tpu.memref_slice %arg10[%add3A_14, %dma_wait3A_33] : memref<10000x128xf32, #tpu.memory_space<vmem_shared>> -> memref<125x128xf32, #tpu.memory_space<vmem_shared>>
      tpu.wait_dma2 semaphore(%run_scoped3A : memref<!tpu.dma_semaphore, #tpu.memory_space<semaphore_mem>>) src(%arg9 : memref<125x128xf32, #tpu.memory_space<vmem>>) dst(%dma_wait3A_34 : memref<125x128xf32, #tpu.memory_space<vmem_shared>>)
      tpu.yield
    }) : () -> ()
    %add3A_15 = arith.constant 375 : i32
    %add3A_16 = arith.addi %mul3A_8, %add3A_15 : i32
    "tpu.region"() ({
      %run_scoped3A = tpu.sem_alloc : memref<!tpu.dma_semaphore, #tpu.memory_space<semaphore_mem>>
      %dma_start3A = arith.constant 0 : i32
      %dma_start3A_29 = tpu.memref_slice %arg10[%add3A_16, %dma_start3A] : memref<10000x128xf32, #tpu.memory_space<vmem_shared>> -> memref<125x128xf32, #tpu.memory_space<vmem_shared>>
      %dma_start3A_30 = arith.constant 0 : i32
      %dma_start3A_31 = tpu.memref_slice %arg10[%add3A_16, %dma_start3A_30] : memref<10000x128xf32, #tpu.memory_space<vmem_shared>> -> memref<125x128xf32, #tpu.memory_space<vmem_shared>>
      tpu.enqueue_dma source(%arg9 : memref<125x128xf32, #tpu.memory_space<vmem>>) target(%dma_start3A_31 : memref<125x128xf32, #tpu.memory_space<vmem_shared>>) target_semaphore(%run_scoped3A : memref<!tpu.dma_semaphore, #tpu.memory_space<semaphore_mem>>)
      %dma_wait3A = arith.constant 0 : i32
      %dma_wait3A_32 = tpu.memref_slice %arg10[%add3A_16, %dma_wait3A] : memref<10000x128xf32, #tpu.memory_space<vmem_shared>> -> memref<125x128xf32, #tpu.memory_space<vmem_shared>>
      %dma_wait3A_33 = arith.constant 0 : i32
      %dma_wait3A_34 = tpu.memref_slice %arg10[%add3A_16, %dma_wait3A_33] : memref<10000x128xf32, #tpu.memory_space<vmem_shared>> -> memref<125x128xf32, #tpu.memory_space<vmem_shared>>
      tpu.wait_dma2 semaphore(%run_scoped3A : memref<!tpu.dma_semaphore, #tpu.memory_space<semaphore_mem>>) src(%arg9 : memref<125x128xf32, #tpu.memory_space<vmem>>) dst(%dma_wait3A_34 : memref<125x128xf32, #tpu.memory_space<vmem_shared>>)
      tpu.yield
    }) : () -> ()
    %add3A_17 = arith.constant 500 : i32
    %add3A_18 = arith.addi %mul3A_8, %add3A_17 : i32
    "tpu.region"() ({
      %run_scoped3A = tpu.sem_alloc : memref<!tpu.dma_semaphore, #tpu.memory_space<semaphore_mem>>
      %dma_start3A = arith.constant 0 : i32
      %dma_start3A_29 = tpu.memref_slice %arg10[%add3A_18, %dma_start3A] : memref<10000x128xf32, #tpu.memory_space<vmem_shared>> -> memref<125x128xf32, #tpu.memory_space<vmem_shared>>
      %dma_start3A_30 = arith.constant 0 : i32
      %dma_start3A_31 = tpu.memref_slice %arg10[%add3A_18, %dma_start3A_30] : memref<10000x128xf32, #tpu.memory_space<vmem_shared>> -> memref<125x128xf32, #tpu.memory_space<vmem_shared>>
      tpu.enqueue_dma source(%arg9 : memref<125x128xf32, #tpu.memory_space<vmem>>) target(%dma_start3A_31 : memref<125x128xf32, #tpu.memory_space<vmem_shared>>) target_semaphore(%run_scoped3A : memref<!tpu.dma_semaphore, #tpu.memory_space<semaphore_mem>>)
      %dma_wait3A = arith.constant 0 : i32
      %dma_wait3A_32 = tpu.memref_slice %arg10[%add3A_18, %dma_wait3A] : memref<10000x128xf32, #tpu.memory_space<vmem_shared>> -> memref<125x128xf32, #tpu.memory_space<vmem_shared>>
      %dma_wait3A_33 = arith.constant 0 : i32
      %dma_wait3A_34 = tpu.memref_slice %arg10[%add3A_18, %dma_wait3A_33] : memref<10000x128xf32, #tpu.memory_space<vmem_shared>> -> memref<125x128xf32, #tpu.memory_space<vmem_shared>>
      tpu.wait_dma2 semaphore(%run_scoped3A : memref<!tpu.dma_semaphore, #tpu.memory_space<semaphore_mem>>) src(%arg9 : memref<125x128xf32, #tpu.memory_space<vmem>>) dst(%dma_wait3A_34 : memref<125x128xf32, #tpu.memory_space<vmem_shared>>)
      tpu.yield
    }) : () -> ()
    "tpu.region"() ({
      %run_scoped3A = tpu.sem_alloc : memref<!tpu.dma_semaphore, #tpu.memory_space<semaphore_mem>>
      %dma_start3A = arith.constant 0 : i32
      %dma_start3A_29 = arith.constant 0 : i32
      %dma_start3A_30 = tpu.memref_slice %arg3[%add3A, %dma_start3A, %dma_start3A_29] : memref<32x250x40xi32, #tpu.memory_space<hbm>> -> memref<1x250x40xi32, #tpu.memory_space<hbm>>
      %dma_start3A_31 = tpu.memref_squeeze %dma_start3A_30 : memref<1x250x40xi32, #tpu.memory_space<hbm>> -> memref<250x40xi32, #tpu.memory_space<hbm>>
      %dma_start3A_32 = arith.constant 0 : i32
      %dma_start3A_33 = arith.constant 0 : i32
      %dma_start3A_34 = tpu.memref_slice %arg3[%add3A, %dma_start3A_32, %dma_start3A_33] : memref<32x250x40xi32, #tpu.memory_space<hbm>> -> memref<1x250x40xi32, #tpu.memory_space<hbm>>
      %dma_start3A_35 = tpu.memref_squeeze %dma_start3A_34 : memref<1x250x40xi32, #tpu.memory_space<hbm>> -> memref<250x40xi32, #tpu.memory_space<hbm>>
      tpu.enqueue_dma source(%dma_start3A_35 : memref<250x40xi32, #tpu.memory_space<hbm>>) target(%arg6 : memref<250x40xi32, #tpu.memory_space<vmem>>) target_semaphore(%run_scoped3A : memref<!tpu.dma_semaphore, #tpu.memory_space<semaphore_mem>>)
      %dma_wait3A = arith.constant 0 : i32
      %dma_wait3A_36 = arith.constant 0 : i32
      %dma_wait3A_37 = tpu.memref_slice %arg3[%add3A, %dma_wait3A, %dma_wait3A_36] : memref<32x250x40xi32, #tpu.memory_space<hbm>> -> memref<1x250x40xi32, #tpu.memory_space<hbm>>
      %dma_wait3A_38 = tpu.memref_squeeze %dma_wait3A_37 : memref<1x250x40xi32, #tpu.memory_space<hbm>> -> memref<250x40xi32, #tpu.memory_space<hbm>>
      %dma_wait3A_39 = arith.constant 0 : i32
      %dma_wait3A_40 = arith.constant 0 : i32
      %dma_wait3A_41 = tpu.memref_slice %arg3[%add3A, %dma_wait3A_39, %dma_wait3A_40] : memref<32x250x40xi32, #tpu.memory_space<hbm>> -> memref<1x250x40xi32, #tpu.memory_space<hbm>>
      %dma_wait3A_42 = tpu.memref_squeeze %dma_wait3A_41 : memref<1x250x40xi32, #tpu.memory_space<hbm>> -> memref<250x40xi32, #tpu.memory_space<hbm>>
      tpu.wait_dma2 semaphore(%run_scoped3A : memref<!tpu.dma_semaphore, #tpu.memory_space<semaphore_mem>>) src(%dma_wait3A_42 : memref<250x40xi32, #tpu.memory_space<hbm>>) dst(%arg6 : memref<250x40xi32, #tpu.memory_space<vmem>>)
      tpu.yield
    }) : () -> ()
    "tpu.region"() ({
      %run_scoped3A = tpu.sem_alloc : memref<!tpu.dma_semaphore, #tpu.memory_space<semaphore_mem>>
      %dma_start3A = arith.constant 0 : i32
      %dma_start3A_29 = arith.constant 0 : i32
      %dma_start3A_30 = tpu.memref_slice %arg4[%add3A, %dma_start3A, %dma_start3A_29] : memref<32x250x40xi32, #tpu.memory_space<hbm>> -> memref<1x250x40xi32, #tpu.memory_space<hbm>>
      %dma_start3A_31 = tpu.memref_squeeze %dma_start3A_30 : memref<1x250x40xi32, #tpu.memory_space<hbm>> -> memref<250x40xi32, #tpu.memory_space<hbm>>
      %dma_start3A_32 = arith.constant 0 : i32
      %dma_start3A_33 = arith.constant 0 : i32
      %dma_start3A_34 = tpu.memref_slice %arg4[%add3A, %dma_start3A_32, %dma_start3A_33] : memref<32x250x40xi32, #tpu.memory_space<hbm>> -> memref<1x250x40xi32, #tpu.memory_space<hbm>>
      %dma_start3A_35 = tpu.memref_squeeze %dma_start3A_34 : memref<1x250x40xi32, #tpu.memory_space<hbm>> -> memref<250x40xi32, #tpu.memory_space<hbm>>
      tpu.enqueue_dma source(%dma_start3A_35 : memref<250x40xi32, #tpu.memory_space<hbm>>) target(%arg7 : memref<250x40xi32, #tpu.memory_space<vmem>>) target_semaphore(%run_scoped3A : memref<!tpu.dma_semaphore, #tpu.memory_space<semaphore_mem>>)
      %dma_wait3A = arith.constant 0 : i32
      %dma_wait3A_36 = arith.constant 0 : i32
      %dma_wait3A_37 = tpu.memref_slice %arg4[%add3A, %dma_wait3A, %dma_wait3A_36] : memref<32x250x40xi32, #tpu.memory_space<hbm>> -> memref<1x250x40xi32, #tpu.memory_space<hbm>>
      %dma_wait3A_38 = tpu.memref_squeeze %dma_wait3A_37 : memref<1x250x40xi32, #tpu.memory_space<hbm>> -> memref<250x40xi32, #tpu.memory_space<hbm>>
      %dma_wait3A_39 = arith.constant 0 : i32
      %dma_wait3A_40 = arith.constant 0 : i32
      %dma_wait3A_41 = tpu.memref_slice %arg4[%add3A, %dma_wait3A_39, %dma_wait3A_40] : memref<32x250x40xi32, #tpu.memory_space<hbm>> -> memref<1x250x40xi32, #tpu.memory_space<hbm>>
      %dma_wait3A_42 = tpu.memref_squeeze %dma_wait3A_41 : memref<1x250x40xi32, #tpu.memory_space<hbm>> -> memref<250x40xi32, #tpu.memory_space<hbm>>
      tpu.wait_dma2 semaphore(%run_scoped3A : memref<!tpu.dma_semaphore, #tpu.memory_space<semaphore_mem>>) src(%dma_wait3A_42 : memref<250x40xi32, #tpu.memory_space<hbm>>) dst(%arg7 : memref<250x40xi32, #tpu.memory_space<vmem>>)
      tpu.yield
    }) : () -> ()
    %barrier3A = arith.constant 0 : index
    tpu.barrier barrier_id(%barrier3A)
    %scan3A_19 = arith.constant 0 : i32
    %scan3A_20 = arith.constant 0 : i32
    %scan3A_21 = arith.constant 250 : i32
    %scan3A_22 = arith.addi %scan3A_20, %scan3A_21 : i32
    %scan3A_23 = arith.constant 1 : i32
    %scan3A_24 = scf.for %scan3A_29 = %scan3A_20 to %scan3A_22 step %scan3A_23 iter_args(%scan3A_30 = %scan3A_19) -> (i32)  : i32 {
      %dma_start3A = arith.constant 0 : i32
      %dma_start3A_31 = tpu.memref_slice %arg6[%scan3A_29, %dma_start3A] : memref<250x40xi32, #tpu.memory_space<vmem>> -> memref<1x40xi32, #tpu.memory_space<vmem>>
      %dma_start3A_32 = tpu.memref_squeeze %dma_start3A_31 : memref<1x40xi32, #tpu.memory_space<vmem>> -> memref<40xi32, #tpu.memory_space<vmem>>
      %dma_start3A_33 = arith.constant 0 : i32
      %dma_start3A_34 = arith.constant 0 : i32
      %dma_start3A_35 = tpu.memref_slice %arg2[%dma_start3A_33, %dma_start3A_34] : memref<10000x128xf32, #tpu.memory_space<hbm>> -> memref<10000x128xf32, #tpu.memory_space<hbm>>
      tpu.enqueue_indirect_dma source(%dma_start3A_35 : memref<10000x128xf32, #tpu.memory_space<hbm>>) target(%arg8 : memref<40x128xf32, #tpu.memory_space<vmem>>) offsets(%dma_start3A_32 : memref<40xi32, #tpu.memory_space<vmem>>) semaphore(%arg11 : memref<!tpu.dma_semaphore, #tpu.memory_space<semaphore_mem>>)
      %dma_wait3A = arith.constant 0 : i32
      %dma_wait3A_36 = tpu.memref_slice %arg6[%scan3A_29, %dma_wait3A] : memref<250x40xi32, #tpu.memory_space<vmem>> -> memref<1x40xi32, #tpu.memory_space<vmem>>
      %dma_wait3A_37 = tpu.memref_squeeze %dma_wait3A_36 : memref<1x40xi32, #tpu.memory_space<vmem>> -> memref<40xi32, #tpu.memory_space<vmem>>
      %dma_wait3A_38 = arith.constant 0 : i32
      %dma_wait3A_39 = arith.constant 0 : i32
      %dma_wait3A_40 = tpu.memref_slice %arg2[%dma_wait3A_38, %dma_wait3A_39] : memref<10000x128xf32, #tpu.memory_space<hbm>> -> memref<10000x128xf32, #tpu.memory_space<hbm>>
      tpu.wait_indirect_dma semaphore(%arg11 : memref<!tpu.dma_semaphore, #tpu.memory_space<semaphore_mem>>) src(%dma_wait3A_40 : memref<10000x128xf32, #tpu.memory_space<hbm>>) dst(%arg8 : memref<40x128xf32, #tpu.memory_space<vmem>>)
      "tpu.region"() ({
        %run_scoped3A = tpu.sem_alloc : memref<!tpu.dma_semaphore, #tpu.memory_space<semaphore_mem>>
        %dma_start3A_42 = arith.constant 0 : i32
        %dma_start3A_43 = tpu.memref_slice %arg7[%scan3A_29, %dma_start3A_42] : memref<250x40xi32, #tpu.memory_space<vmem>> -> memref<1x40xi32, #tpu.memory_space<vmem>>
        %dma_start3A_44 = tpu.memref_squeeze %dma_start3A_43 : memref<1x40xi32, #tpu.memory_space<vmem>> -> memref<40xi32, #tpu.memory_space<vmem>>
        %dma_start3A_45 = arith.constant 0 : i32
        %dma_start3A_46 = arith.constant 0 : i32
        %dma_start3A_47 = tpu.memref_slice %arg10[%dma_start3A_45, %dma_start3A_46] : memref<10000x128xf32, #tpu.memory_space<vmem_shared>> -> memref<10000x128xf32, #tpu.memory_space<vmem_shared>>
        tpu.enqueue_indirect_dma source(%arg8 : memref<40x128xf32, #tpu.memory_space<vmem>>) target(%dma_start3A_47 : memref<10000x128xf32, #tpu.memory_space<vmem_shared>>) offsets(%dma_start3A_44 : memref<40xi32, #tpu.memory_space<vmem>>) semaphore(%run_scoped3A : memref<!tpu.dma_semaphore, #tpu.memory_space<semaphore_mem>>) {add = true}
        %dma_wait3A_48 = arith.constant 0 : i32
        %dma_wait3A_49 = tpu.memref_slice %arg7[%scan3A_29, %dma_wait3A_48] : memref<250x40xi32, #tpu.memory_space<vmem>> -> memref<1x40xi32, #tpu.memory_space<vmem>>
        %dma_wait3A_50 = tpu.memref_squeeze %dma_wait3A_49 : memref<1x40xi32, #tpu.memory_space<vmem>> -> memref<40xi32, #tpu.memory_space<vmem>>
        %dma_wait3A_51 = arith.constant 0 : i32
        %dma_wait3A_52 = arith.constant 0 : i32
        %dma_wait3A_53 = tpu.memref_slice %arg10[%dma_wait3A_51, %dma_wait3A_52] : memref<10000x128xf32, #tpu.memory_space<vmem_shared>> -> memref<10000x128xf32, #tpu.memory_space<vmem_shared>>
        tpu.wait_indirect_dma semaphore(%run_scoped3A : memref<!tpu.dma_semaphore, #tpu.memory_space<semaphore_mem>>) src(%arg8 : memref<40x128xf32, #tpu.memory_space<vmem>>) dst(%dma_wait3A_53 : memref<10000x128xf32, #tpu.memory_space<vmem_shared>>)
        tpu.yield
      }) : () -> ()
      %scan3A_41 = arith.constant 0 : i32
      scf.yield %scan3A_41 : i32
    }
    %scan3A_25 = arith.constant 250 : i32
    %barrier3A_26 = arith.constant 0 : index
    tpu.barrier barrier_id(%barrier3A_26)
    %eq3A = arith.constant 0 : i32
    %eq3A_27 = arith.cmpi eq, %arg1, %eq3A : i32
    %convert_element_type3A = arith.extui %eq3A_27 : i1 to i32
    %cond3A = arith.constant 0 : i32
    %cond3A_28 = arith.cmpi ne, %convert_element_type3A, %cond3A : i32
    scf.if %cond3A_28 {
      "tpu.region"() ({
        %run_scoped3A = tpu.sem_alloc : memref<!tpu.dma_semaphore, #tpu.memory_space<semaphore_mem>>
        %dma_start3A = arith.constant 0 : i32
        %dma_start3A_29 = arith.constant 0 : i32
        %dma_start3A_30 = tpu.memref_slice %arg5[%arg0, %dma_start3A, %dma_start3A_29] : memref<2x10000x128xf32, #tpu.memory_space<hbm>> -> memref<1x10000x128xf32, #tpu.memory_space<hbm>>
        %dma_start3A_31 = tpu.memref_squeeze %dma_start3A_30 : memref<1x10000x128xf32, #tpu.memory_space<hbm>> -> memref<10000x128xf32, #tpu.memory_space<hbm>>
        tpu.enqueue_dma source(%arg10 : memref<10000x128xf32, #tpu.memory_space<vmem_shared>>) target(%dma_start3A_31 : memref<10000x128xf32, #tpu.memory_space<hbm>>) target_semaphore(%run_scoped3A : memref<!tpu.dma_semaphore, #tpu.memory_space<semaphore_mem>>)
        %dma_wait3A = arith.constant 0 : i32
        %dma_wait3A_32 = arith.constant 0 : i32
        %dma_wait3A_33 = tpu.memref_slice %arg5[%arg0, %dma_wait3A, %dma_wait3A_32] : memref<2x10000x128xf32, #tpu.memory_space<hbm>> -> memref<1x10000x128xf32, #tpu.memory_space<hbm>>
        %dma_wait3A_34 = tpu.memref_squeeze %dma_wait3A_33 : memref<1x10000x128xf32, #tpu.memory_space<hbm>> -> memref<10000x128xf32, #tpu.memory_space<hbm>>
        tpu.wait_dma2 semaphore(%run_scoped3A : memref<!tpu.dma_semaphore, #tpu.memory_space<semaphore_mem>>) src(%arg10 : memref<10000x128xf32, #tpu.memory_space<vmem_shared>>) dst(%dma_wait3A_34 : memref<10000x128xf32, #tpu.memory_space<hbm>>)
        tpu.yield
      }) : () -> ()
    } else {
    }
    return
  }
}

#map = affine_map<(d0, d1) -> (0, 0)>
#map1 = affine_map<(d0, d1) -> (0, 0, 0)>
module attributes {stable_mosaic.version = 14 : i64} {
  func.func @_sc_edge_agg(%arg0: i32, %arg1: i32, %arg2: memref<10000x128xf32, #tpu.memory_space<hbm>>, %arg3: memref<32x250x40xi32, #tpu.memory_space<hbm>>, %arg4: memref<32x250x40xi32, #tpu.memory_space<hbm>>, %arg5: memref<2x10000x128xf32, #tpu.memory_space<hbm>>, %arg6: memref<250x40xi32, #tpu.memory_space<vmem>>, %arg7: memref<250x40xi32, #tpu.memory_space<vmem>>, %arg8: memref<40x128xf32, #tpu.memory_space<vmem>>, %arg9: memref<125x128xf32, #tpu.memory_space<vmem>>, %arg10: memref<10000x128xf32, #tpu.memory_space<vmem_shared>>, %arg11: memref<!tpu.dma_semaphore, #tpu.memory_space<semaphore_mem>>) attributes {dimension_semantics = [#tpu.dimension_semantics<core_parallel>, #tpu.dimension_semantics<subcore_parallel>], iteration_bounds = array<i64: 2, 16>, scalar_prefetch = 0 : i64, scratch_operands = 6 : i64, tpu.core_type = #tpu.core_type<sc_vector_subcore>, window_params = [{transform_indices = #map}, {transform_indices = #map1}, {transform_indices = #map1}, {transform_indices = #map1}]} {
    %mul3A = arith.constant 16 : i32
    %mul3A_0 = arith.muli %arg0, %mul3A : i32
    %add3A = arith.addi %mul3A_0, %arg1 : i32
    %scan3A = arith.constant 0 : i32
    %scan3A_1 = arith.constant 0 : i32
    %scan3A_2 = arith.constant 125 : i32
    %scan3A_3 = arith.addi %scan3A_1, %scan3A_2 : i32
    %scan3A_4 = arith.constant 1 : i32
    %scan3A_5 = scf.for %scan3A_29 = %scan3A_1 to %scan3A_3 step %scan3A_4 iter_args(%scan3A_30 = %scan3A) -> (i32)  : i32 {
      %broadcast_in_dim3A = arith.constant 0.000000e+00 : f32
      %broadcast_in_dim3A_31 = vector.broadcast %broadcast_in_dim3A : f32 to vector<16xf32>
      %swap3A = arith.index_cast %scan3A_29 : i32 to index
      %swap3A_32 = arith.constant 0 : index
      %swap3A_33 = tpu.vector_load %arg9[%swap3A, %swap3A_32] {strides = array<i32>} : memref<125x128xf32, #tpu.memory_space<vmem>>, vector<1x16xf32>,
      %swap3A_34 = vector.shape_cast %swap3A_33 : vector<1x16xf32> to vector<16xf32>
      %swap3A_35 = vector.shape_cast %broadcast_in_dim3A_31 : vector<16xf32> to vector<1x16xf32>
      tpu.vector_store %arg9[%swap3A, %swap3A_32], %swap3A_35 {strides = array<i32>} : memref<125x128xf32, #tpu.memory_space<vmem>>, vector<1x16xf32>,
      %broadcast_in_dim3A_36 = arith.constant 0.000000e+00 : f32
      %broadcast_in_dim3A_37 = vector.broadcast %broadcast_in_dim3A_36 : f32 to vector<16xf32>
      %swap3A_38 = arith.index_cast %scan3A_29 : i32 to index
      %swap3A_39 = arith.constant 16 : index
      %swap3A_40 = tpu.vector_load %arg9[%swap3A_38, %swap3A_39] {strides = array<i32>} : memref<125x128xf32, #tpu.memory_space<vmem>>, vector<1x16xf32>,
      %swap3A_41 = vector.shape_cast %swap3A_40 : vector<1x16xf32> to vector<16xf32>
      %swap3A_42 = vector.shape_cast %broadcast_in_dim3A_37 : vector<16xf32> to vector<1x16xf32>
      tpu.vector_store %arg9[%swap3A_38, %swap3A_39], %swap3A_42 {strides = array<i32>} : memref<125x128xf32, #tpu.memory_space<vmem>>, vector<1x16xf32>,
      %broadcast_in_dim3A_43 = arith.constant 0.000000e+00 : f32
      %broadcast_in_dim3A_44 = vector.broadcast %broadcast_in_dim3A_43 : f32 to vector<16xf32>
      %swap3A_45 = arith.index_cast %scan3A_29 : i32 to index
      %swap3A_46 = arith.constant 32 : index
      %swap3A_47 = tpu.vector_load %arg9[%swap3A_45, %swap3A_46] {strides = array<i32>} : memref<125x128xf32, #tpu.memory_space<vmem>>, vector<1x16xf32>,
      %swap3A_48 = vector.shape_cast %swap3A_47 : vector<1x16xf32> to vector<16xf32>
      %swap3A_49 = vector.shape_cast %broadcast_in_dim3A_44 : vector<16xf32> to vector<1x16xf32>
      tpu.vector_store %arg9[%swap3A_45, %swap3A_46], %swap3A_49 {strides = array<i32>} : memref<125x128xf32, #tpu.memory_space<vmem>>, vector<1x16xf32>,
      %broadcast_in_dim3A_50 = arith.constant 0.000000e+00 : f32
      %broadcast_in_dim3A_51 = vector.broadcast %broadcast_in_dim3A_50 : f32 to vector<16xf32>
      %swap3A_52 = arith.index_cast %scan3A_29 : i32 to index
      %swap3A_53 = arith.constant 48 : index
      %swap3A_54 = tpu.vector_load %arg9[%swap3A_52, %swap3A_53] {strides = array<i32>} : memref<125x128xf32, #tpu.memory_space<vmem>>, vector<1x16xf32>,
      %swap3A_55 = vector.shape_cast %swap3A_54 : vector<1x16xf32> to vector<16xf32>
      %swap3A_56 = vector.shape_cast %broadcast_in_dim3A_51 : vector<16xf32> to vector<1x16xf32>
      tpu.vector_store %arg9[%swap3A_52, %swap3A_53], %swap3A_56 {strides = array<i32>} : memref<125x128xf32, #tpu.memory_space<vmem>>, vector<1x16xf32>,
      %broadcast_in_dim3A_57 = arith.constant 0.000000e+00 : f32
      %broadcast_in_dim3A_58 = vector.broadcast %broadcast_in_dim3A_57 : f32 to vector<16xf32>
      %swap3A_59 = arith.index_cast %scan3A_29 : i32 to index
      %swap3A_60 = arith.constant 64 : index
      %swap3A_61 = tpu.vector_load %arg9[%swap3A_59, %swap3A_60] {strides = array<i32>} : memref<125x128xf32, #tpu.memory_space<vmem>>, vector<1x16xf32>,
      %swap3A_62 = vector.shape_cast %swap3A_61 : vector<1x16xf32> to vector<16xf32>
      %swap3A_63 = vector.shape_cast %broadcast_in_dim3A_58 : vector<16xf32> to vector<1x16xf32>
      tpu.vector_store %arg9[%swap3A_59, %swap3A_60], %swap3A_63 {strides = array<i32>} : memref<125x128xf32, #tpu.memory_space<vmem>>, vector<1x16xf32>,
      %broadcast_in_dim3A_64 = arith.constant 0.000000e+00 : f32
      %broadcast_in_dim3A_65 = vector.broadcast %broadcast_in_dim3A_64 : f32 to vector<16xf32>
      %swap3A_66 = arith.index_cast %scan3A_29 : i32 to index
      %swap3A_67 = arith.constant 80 : index
      %swap3A_68 = tpu.vector_load %arg9[%swap3A_66, %swap3A_67] {strides = array<i32>} : memref<125x128xf32, #tpu.memory_space<vmem>>, vector<1x16xf32>,
      %swap3A_69 = vector.shape_cast %swap3A_68 : vector<1x16xf32> to vector<16xf32>
      %swap3A_70 = vector.shape_cast %broadcast_in_dim3A_65 : vector<16xf32> to vector<1x16xf32>
      tpu.vector_store %arg9[%swap3A_66, %swap3A_67], %swap3A_70 {strides = array<i32>} : memref<125x128xf32, #tpu.memory_space<vmem>>, vector<1x16xf32>,
      %broadcast_in_dim3A_71 = arith.constant 0.000000e+00 : f32
      %broadcast_in_dim3A_72 = vector.broadcast %broadcast_in_dim3A_71 : f32 to vector<16xf32>
      %swap3A_73 = arith.index_cast %scan3A_29 : i32 to index
      %swap3A_74 = arith.constant 96 : index
      %swap3A_75 = tpu.vector_load %arg9[%swap3A_73, %swap3A_74] {strides = array<i32>} : memref<125x128xf32, #tpu.memory_space<vmem>>, vector<1x16xf32>,
      %swap3A_76 = vector.shape_cast %swap3A_75 : vector<1x16xf32> to vector<16xf32>
      %swap3A_77 = vector.shape_cast %broadcast_in_dim3A_72 : vector<16xf32> to vector<1x16xf32>
      tpu.vector_store %arg9[%swap3A_73, %swap3A_74], %swap3A_77 {strides = array<i32>} : memref<125x128xf32, #tpu.memory_space<vmem>>, vector<1x16xf32>,
      %broadcast_in_dim3A_78 = arith.constant 0.000000e+00 : f32
      %broadcast_in_dim3A_79 = vector.broadcast %broadcast_in_dim3A_78 : f32 to vector<16xf32>
      %swap3A_80 = arith.index_cast %scan3A_29 : i32 to index
      %swap3A_81 = arith.constant 112 : index
      %swap3A_82 = tpu.vector_load %arg9[%swap3A_80, %swap3A_81] {strides = array<i32>} : memref<125x128xf32, #tpu.memory_space<vmem>>, vector<1x16xf32>,
      %swap3A_83 = vector.shape_cast %swap3A_82 : vector<1x16xf32> to vector<16xf32>
      %swap3A_84 = vector.shape_cast %broadcast_in_dim3A_79 : vector<16xf32> to vector<1x16xf32>
      tpu.vector_store %arg9[%swap3A_80, %swap3A_81], %swap3A_84 {strides = array<i32>} : memref<125x128xf32, #tpu.memory_space<vmem>>, vector<1x16xf32>,
      %scan3A_85 = arith.constant 0 : i32
      scf.yield %scan3A_85 : i32
    }
    %scan3A_6 = arith.constant 125 : i32
    %mul3A_7 = arith.constant 625 : i32
    %mul3A_8 = arith.muli %arg1, %mul3A_7 : i32
    %add3A_9 = arith.constant 0 : i32
    %add3A_10 = arith.addi %mul3A_8, %add3A_9 : i32
    "tpu.region"() ({
      %run_scoped3A = tpu.sem_alloc : memref<!tpu.dma_semaphore, #tpu.memory_space<semaphore_mem>>
      %dma_start3A = arith.constant 0 : i32
      %dma_start3A_29 = tpu.memref_slice %arg10[%add3A_10, %dma_start3A] : memref<10000x128xf32, #tpu.memory_space<vmem_shared>> -> memref<125x128xf32, #tpu.memory_space<vmem_shared>>
      %dma_start3A_30 = arith.constant 0 : i32
      %dma_start3A_31 = tpu.memref_slice %arg10[%add3A_10, %dma_start3A_30] : memref<10000x128xf32, #tpu.memory_space<vmem_shared>> -> memref<125x128xf32, #tpu.memory_space<vmem_shared>>
      tpu.enqueue_dma source(%arg9 : memref<125x128xf32, #tpu.memory_space<vmem>>) target(%dma_start3A_31 : memref<125x128xf32, #tpu.memory_space<vmem_shared>>) target_semaphore(%run_scoped3A : memref<!tpu.dma_semaphore, #tpu.memory_space<semaphore_mem>>)
      %dma_wait3A = arith.constant 0 : i32
      %dma_wait3A_32 = tpu.memref_slice %arg10[%add3A_10, %dma_wait3A] : memref<10000x128xf32, #tpu.memory_space<vmem_shared>> -> memref<125x128xf32, #tpu.memory_space<vmem_shared>>
      %dma_wait3A_33 = arith.constant 0 : i32
      %dma_wait3A_34 = tpu.memref_slice %arg10[%add3A_10, %dma_wait3A_33] : memref<10000x128xf32, #tpu.memory_space<vmem_shared>> -> memref<125x128xf32, #tpu.memory_space<vmem_shared>>
      tpu.wait_dma2 semaphore(%run_scoped3A : memref<!tpu.dma_semaphore, #tpu.memory_space<semaphore_mem>>) src(%arg9 : memref<125x128xf32, #tpu.memory_space<vmem>>) dst(%dma_wait3A_34 : memref<125x128xf32, #tpu.memory_space<vmem_shared>>)
      tpu.yield
    }) : () -> ()
    %add3A_11 = arith.constant 125 : i32
    %add3A_12 = arith.addi %mul3A_8, %add3A_11 : i32
    "tpu.region"() ({
      %run_scoped3A = tpu.sem_alloc : memref<!tpu.dma_semaphore, #tpu.memory_space<semaphore_mem>>
      %dma_start3A = arith.constant 0 : i32
      %dma_start3A_29 = tpu.memref_slice %arg10[%add3A_12, %dma_start3A] : memref<10000x128xf32, #tpu.memory_space<vmem_shared>> -> memref<125x128xf32, #tpu.memory_space<vmem_shared>>
      %dma_start3A_30 = arith.constant 0 : i32
      %dma_start3A_31 = tpu.memref_slice %arg10[%add3A_12, %dma_start3A_30] : memref<10000x128xf32, #tpu.memory_space<vmem_shared>> -> memref<125x128xf32, #tpu.memory_space<vmem_shared>>
      tpu.enqueue_dma source(%arg9 : memref<125x128xf32, #tpu.memory_space<vmem>>) target(%dma_start3A_31 : memref<125x128xf32, #tpu.memory_space<vmem_shared>>) target_semaphore(%run_scoped3A : memref<!tpu.dma_semaphore, #tpu.memory_space<semaphore_mem>>)
      %dma_wait3A = arith.constant 0 : i32
      %dma_wait3A_32 = tpu.memref_slice %arg10[%add3A_12, %dma_wait3A] : memref<10000x128xf32, #tpu.memory_space<vmem_shared>> -> memref<125x128xf32, #tpu.memory_space<vmem_shared>>
      %dma_wait3A_33 = arith.constant 0 : i32
      %dma_wait3A_34 = tpu.memref_slice %arg10[%add3A_12, %dma_wait3A_33] : memref<10000x128xf32, #tpu.memory_space<vmem_shared>> -> memref<125x128xf32, #tpu.memory_space<vmem_shared>>
      tpu.wait_dma2 semaphore(%run_scoped3A : memref<!tpu.dma_semaphore, #tpu.memory_space<semaphore_mem>>) src(%arg9 : memref<125x128xf32, #tpu.memory_space<vmem>>) dst(%dma_wait3A_34 : memref<125x128xf32, #tpu.memory_space<vmem_shared>>)
      tpu.yield
    }) : () -> ()
    %add3A_13 = arith.constant 250 : i32
    %add3A_14 = arith.addi %mul3A_8, %add3A_13 : i32
    "tpu.region"() ({
      %run_scoped3A = tpu.sem_alloc : memref<!tpu.dma_semaphore, #tpu.memory_space<semaphore_mem>>
      %dma_start3A = arith.constant 0 : i32
      %dma_start3A_29 = tpu.memref_slice %arg10[%add3A_14, %dma_start3A] : memref<10000x128xf32, #tpu.memory_space<vmem_shared>> -> memref<125x128xf32, #tpu.memory_space<vmem_shared>>
      %dma_start3A_30 = arith.constant 0 : i32
      %dma_start3A_31 = tpu.memref_slice %arg10[%add3A_14, %dma_start3A_30] : memref<10000x128xf32, #tpu.memory_space<vmem_shared>> -> memref<125x128xf32, #tpu.memory_space<vmem_shared>>
      tpu.enqueue_dma source(%arg9 : memref<125x128xf32, #tpu.memory_space<vmem>>) target(%dma_start3A_31 : memref<125x128xf32, #tpu.memory_space<vmem_shared>>) target_semaphore(%run_scoped3A : memref<!tpu.dma_semaphore, #tpu.memory_space<semaphore_mem>>)
      %dma_wait3A = arith.constant 0 : i32
      %dma_wait3A_32 = tpu.memref_slice %arg10[%add3A_14, %dma_wait3A] : memref<10000x128xf32, #tpu.memory_space<vmem_shared>> -> memref<125x128xf32, #tpu.memory_space<vmem_shared>>
      %dma_wait3A_33 = arith.constant 0 : i32
      %dma_wait3A_34 = tpu.memref_slice %arg10[%add3A_14, %dma_wait3A_33] : memref<10000x128xf32, #tpu.memory_space<vmem_shared>> -> memref<125x128xf32, #tpu.memory_space<vmem_shared>>
      tpu.wait_dma2 semaphore(%run_scoped3A : memref<!tpu.dma_semaphore, #tpu.memory_space<semaphore_mem>>) src(%arg9 : memref<125x128xf32, #tpu.memory_space<vmem>>) dst(%dma_wait3A_34 : memref<125x128xf32, #tpu.memory_space<vmem_shared>>)
      tpu.yield
    }) : () -> ()
    %add3A_15 = arith.constant 375 : i32
    %add3A_16 = arith.addi %mul3A_8, %add3A_15 : i32
    "tpu.region"() ({
      %run_scoped3A = tpu.sem_alloc : memref<!tpu.dma_semaphore, #tpu.memory_space<semaphore_mem>>
      %dma_start3A = arith.constant 0 : i32
      %dma_start3A_29 = tpu.memref_slice %arg10[%add3A_16, %dma_start3A] : memref<10000x128xf32, #tpu.memory_space<vmem_shared>> -> memref<125x128xf32, #tpu.memory_space<vmem_shared>>
      %dma_start3A_30 = arith.constant 0 : i32
      %dma_start3A_31 = tpu.memref_slice %arg10[%add3A_16, %dma_start3A_30] : memref<10000x128xf32, #tpu.memory_space<vmem_shared>> -> memref<125x128xf32, #tpu.memory_space<vmem_shared>>
      tpu.enqueue_dma source(%arg9 : memref<125x128xf32, #tpu.memory_space<vmem>>) target(%dma_start3A_31 : memref<125x128xf32, #tpu.memory_space<vmem_shared>>) target_semaphore(%run_scoped3A : memref<!tpu.dma_semaphore, #tpu.memory_space<semaphore_mem>>)
      %dma_wait3A = arith.constant 0 : i32
      %dma_wait3A_32 = tpu.memref_slice %arg10[%add3A_16, %dma_wait3A] : memref<10000x128xf32, #tpu.memory_space<vmem_shared>> -> memref<125x128xf32, #tpu.memory_space<vmem_shared>>
      %dma_wait3A_33 = arith.constant 0 : i32
      %dma_wait3A_34 = tpu.memref_slice %arg10[%add3A_16, %dma_wait3A_33] : memref<10000x128xf32, #tpu.memory_space<vmem_shared>> -> memref<125x128xf32, #tpu.memory_space<vmem_shared>>
      tpu.wait_dma2 semaphore(%run_scoped3A : memref<!tpu.dma_semaphore, #tpu.memory_space<semaphore_mem>>) src(%arg9 : memref<125x128xf32, #tpu.memory_space<vmem>>) dst(%dma_wait3A_34 : memref<125x128xf32, #tpu.memory_space<vmem_shared>>)
      tpu.yield
    }) : () -> ()
    %add3A_17 = arith.constant 500 : i32
    %add3A_18 = arith.addi %mul3A_8, %add3A_17 : i32
    "tpu.region"() ({
      %run_scoped3A = tpu.sem_alloc : memref<!tpu.dma_semaphore, #tpu.memory_space<semaphore_mem>>
      %dma_start3A = arith.constant 0 : i32
      %dma_start3A_29 = tpu.memref_slice %arg10[%add3A_18, %dma_start3A] : memref<10000x128xf32, #tpu.memory_space<vmem_shared>> -> memref<125x128xf32, #tpu.memory_space<vmem_shared>>
      %dma_start3A_30 = arith.constant 0 : i32
      %dma_start3A_31 = tpu.memref_slice %arg10[%add3A_18, %dma_start3A_30] : memref<10000x128xf32, #tpu.memory_space<vmem_shared>> -> memref<125x128xf32, #tpu.memory_space<vmem_shared>>
      tpu.enqueue_dma source(%arg9 : memref<125x128xf32, #tpu.memory_space<vmem>>) target(%dma_start3A_31 : memref<125x128xf32, #tpu.memory_space<vmem_shared>>) target_semaphore(%run_scoped3A : memref<!tpu.dma_semaphore, #tpu.memory_space<semaphore_mem>>)
      %dma_wait3A = arith.constant 0 : i32
      %dma_wait3A_32 = tpu.memref_slice %arg10[%add3A_18, %dma_wait3A] : memref<10000x128xf32, #tpu.memory_space<vmem_shared>> -> memref<125x128xf32, #tpu.memory_space<vmem_shared>>
      %dma_wait3A_33 = arith.constant 0 : i32
      %dma_wait3A_34 = tpu.memref_slice %arg10[%add3A_18, %dma_wait3A_33] : memref<10000x128xf32, #tpu.memory_space<vmem_shared>> -> memref<125x128xf32, #tpu.memory_space<vmem_shared>>
      tpu.wait_dma2 semaphore(%run_scoped3A : memref<!tpu.dma_semaphore, #tpu.memory_space<semaphore_mem>>) src(%arg9 : memref<125x128xf32, #tpu.memory_space<vmem>>) dst(%dma_wait3A_34 : memref<125x128xf32, #tpu.memory_space<vmem_shared>>)
      tpu.yield
    }) : () -> ()
    "tpu.region"() ({
      %run_scoped3A = tpu.sem_alloc : memref<!tpu.dma_semaphore, #tpu.memory_space<semaphore_mem>>
      %dma_start3A = arith.constant 0 : i32
      %dma_start3A_29 = arith.constant 0 : i32
      %dma_start3A_30 = tpu.memref_slice %arg3[%add3A, %dma_start3A, %dma_start3A_29] : memref<32x250x40xi32, #tpu.memory_space<hbm>> -> memref<1x250x40xi32, #tpu.memory_space<hbm>>
      %dma_start3A_31 = tpu.memref_squeeze %dma_start3A_30 : memref<1x250x40xi32, #tpu.memory_space<hbm>> -> memref<250x40xi32, #tpu.memory_space<hbm>>
      %dma_start3A_32 = arith.constant 0 : i32
      %dma_start3A_33 = arith.constant 0 : i32
      %dma_start3A_34 = tpu.memref_slice %arg3[%add3A, %dma_start3A_32, %dma_start3A_33] : memref<32x250x40xi32, #tpu.memory_space<hbm>> -> memref<1x250x40xi32, #tpu.memory_space<hbm>>
      %dma_start3A_35 = tpu.memref_squeeze %dma_start3A_34 : memref<1x250x40xi32, #tpu.memory_space<hbm>> -> memref<250x40xi32, #tpu.memory_space<hbm>>
      tpu.enqueue_dma source(%dma_start3A_35 : memref<250x40xi32, #tpu.memory_space<hbm>>) target(%arg6 : memref<250x40xi32, #tpu.memory_space<vmem>>) target_semaphore(%run_scoped3A : memref<!tpu.dma_semaphore, #tpu.memory_space<semaphore_mem>>)
      %dma_wait3A = arith.constant 0 : i32
      %dma_wait3A_36 = arith.constant 0 : i32
      %dma_wait3A_37 = tpu.memref_slice %arg3[%add3A, %dma_wait3A, %dma_wait3A_36] : memref<32x250x40xi32, #tpu.memory_space<hbm>> -> memref<1x250x40xi32, #tpu.memory_space<hbm>>
      %dma_wait3A_38 = tpu.memref_squeeze %dma_wait3A_37 : memref<1x250x40xi32, #tpu.memory_space<hbm>> -> memref<250x40xi32, #tpu.memory_space<hbm>>
      %dma_wait3A_39 = arith.constant 0 : i32
      %dma_wait3A_40 = arith.constant 0 : i32
      %dma_wait3A_41 = tpu.memref_slice %arg3[%add3A, %dma_wait3A_39, %dma_wait3A_40] : memref<32x250x40xi32, #tpu.memory_space<hbm>> -> memref<1x250x40xi32, #tpu.memory_space<hbm>>
      %dma_wait3A_42 = tpu.memref_squeeze %dma_wait3A_41 : memref<1x250x40xi32, #tpu.memory_space<hbm>> -> memref<250x40xi32, #tpu.memory_space<hbm>>
      tpu.wait_dma2 semaphore(%run_scoped3A : memref<!tpu.dma_semaphore, #tpu.memory_space<semaphore_mem>>) src(%dma_wait3A_42 : memref<250x40xi32, #tpu.memory_space<hbm>>) dst(%arg6 : memref<250x40xi32, #tpu.memory_space<vmem>>)
      tpu.yield
    }) : () -> ()
    "tpu.region"() ({
      %run_scoped3A = tpu.sem_alloc : memref<!tpu.dma_semaphore, #tpu.memory_space<semaphore_mem>>
      %dma_start3A = arith.constant 0 : i32
      %dma_start3A_29 = arith.constant 0 : i32
      %dma_start3A_30 = tpu.memref_slice %arg4[%add3A, %dma_start3A, %dma_start3A_29] : memref<32x250x40xi32, #tpu.memory_space<hbm>> -> memref<1x250x40xi32, #tpu.memory_space<hbm>>
      %dma_start3A_31 = tpu.memref_squeeze %dma_start3A_30 : memref<1x250x40xi32, #tpu.memory_space<hbm>> -> memref<250x40xi32, #tpu.memory_space<hbm>>
      %dma_start3A_32 = arith.constant 0 : i32
      %dma_start3A_33 = arith.constant 0 : i32
      %dma_start3A_34 = tpu.memref_slice %arg4[%add3A, %dma_start3A_32, %dma_start3A_33] : memref<32x250x40xi32, #tpu.memory_space<hbm>> -> memref<1x250x40xi32, #tpu.memory_space<hbm>>
      %dma_start3A_35 = tpu.memref_squeeze %dma_start3A_34 : memref<1x250x40xi32, #tpu.memory_space<hbm>> -> memref<250x40xi32, #tpu.memory_space<hbm>>
      tpu.enqueue_dma source(%dma_start3A_35 : memref<250x40xi32, #tpu.memory_space<hbm>>) target(%arg7 : memref<250x40xi32, #tpu.memory_space<vmem>>) target_semaphore(%run_scoped3A : memref<!tpu.dma_semaphore, #tpu.memory_space<semaphore_mem>>)
      %dma_wait3A = arith.constant 0 : i32
      %dma_wait3A_36 = arith.constant 0 : i32
      %dma_wait3A_37 = tpu.memref_slice %arg4[%add3A, %dma_wait3A, %dma_wait3A_36] : memref<32x250x40xi32, #tpu.memory_space<hbm>> -> memref<1x250x40xi32, #tpu.memory_space<hbm>>
      %dma_wait3A_38 = tpu.memref_squeeze %dma_wait3A_37 : memref<1x250x40xi32, #tpu.memory_space<hbm>> -> memref<250x40xi32, #tpu.memory_space<hbm>>
      %dma_wait3A_39 = arith.constant 0 : i32
      %dma_wait3A_40 = arith.constant 0 : i32
      %dma_wait3A_41 = tpu.memref_slice %arg4[%add3A, %dma_wait3A_39, %dma_wait3A_40] : memref<32x250x40xi32, #tpu.memory_space<hbm>> -> memref<1x250x40xi32, #tpu.memory_space<hbm>>
      %dma_wait3A_42 = tpu.memref_squeeze %dma_wait3A_41 : memref<1x250x40xi32, #tpu.memory_space<hbm>> -> memref<250x40xi32, #tpu.memory_space<hbm>>
      tpu.wait_dma2 semaphore(%run_scoped3A : memref<!tpu.dma_semaphore, #tpu.memory_space<semaphore_mem>>) src(%dma_wait3A_42 : memref<250x40xi32, #tpu.memory_space<hbm>>) dst(%arg7 : memref<250x40xi32, #tpu.memory_space<vmem>>)
      tpu.yield
    }) : () -> ()
    %barrier3A = arith.constant 0 : index
    tpu.barrier barrier_id(%barrier3A)
    %scan3A_19 = arith.constant 0 : i32
    %scan3A_20 = arith.constant 0 : i32
    %scan3A_21 = arith.constant 250 : i32
    %scan3A_22 = arith.addi %scan3A_20, %scan3A_21 : i32
    %scan3A_23 = arith.constant 1 : i32
    %scan3A_24 = scf.for %scan3A_29 = %scan3A_20 to %scan3A_22 step %scan3A_23 iter_args(%scan3A_30 = %scan3A_19) -> (i32)  : i32 {
      %dma_start3A = arith.constant 0 : i32
      %dma_start3A_31 = tpu.memref_slice %arg6[%scan3A_29, %dma_start3A] : memref<250x40xi32, #tpu.memory_space<vmem>> -> memref<1x40xi32, #tpu.memory_space<vmem>>
      %dma_start3A_32 = tpu.memref_squeeze %dma_start3A_31 : memref<1x40xi32, #tpu.memory_space<vmem>> -> memref<40xi32, #tpu.memory_space<vmem>>
      %dma_start3A_33 = arith.constant 0 : i32
      %dma_start3A_34 = arith.constant 0 : i32
      %dma_start3A_35 = tpu.memref_slice %arg2[%dma_start3A_33, %dma_start3A_34] : memref<10000x128xf32, #tpu.memory_space<hbm>> -> memref<10000x128xf32, #tpu.memory_space<hbm>>
      tpu.enqueue_indirect_dma source(%dma_start3A_35 : memref<10000x128xf32, #tpu.memory_space<hbm>>) target(%arg8 : memref<40x128xf32, #tpu.memory_space<vmem>>) offsets(%dma_start3A_32 : memref<40xi32, #tpu.memory_space<vmem>>) semaphore(%arg11 : memref<!tpu.dma_semaphore, #tpu.memory_space<semaphore_mem>>)
      %dma_wait3A = arith.constant 0 : i32
      %dma_wait3A_36 = tpu.memref_slice %arg6[%scan3A_29, %dma_wait3A] : memref<250x40xi32, #tpu.memory_space<vmem>> -> memref<1x40xi32, #tpu.memory_space<vmem>>
      %dma_wait3A_37 = tpu.memref_squeeze %dma_wait3A_36 : memref<1x40xi32, #tpu.memory_space<vmem>> -> memref<40xi32, #tpu.memory_space<vmem>>
      %dma_wait3A_38 = arith.constant 0 : i32
      %dma_wait3A_39 = arith.constant 0 : i32
      %dma_wait3A_40 = tpu.memref_slice %arg2[%dma_wait3A_38, %dma_wait3A_39] : memref<10000x128xf32, #tpu.memory_space<hbm>> -> memref<10000x128xf32, #tpu.memory_space<hbm>>
      tpu.wait_indirect_dma semaphore(%arg11 : memref<!tpu.dma_semaphore, #tpu.memory_space<semaphore_mem>>) src(%dma_wait3A_40 : memref<10000x128xf32, #tpu.memory_space<hbm>>) dst(%arg8 : memref<40x128xf32, #tpu.memory_space<vmem>>)
      "tpu.region"() ({
        %run_scoped3A = tpu.sem_alloc : memref<!tpu.dma_semaphore, #tpu.memory_space<semaphore_mem>>
        %dma_start3A_42 = arith.constant 0 : i32
        %dma_start3A_43 = tpu.memref_slice %arg7[%scan3A_29, %dma_start3A_42] : memref<250x40xi32, #tpu.memory_space<vmem>> -> memref<1x40xi32, #tpu.memory_space<vmem>>
        %dma_start3A_44 = tpu.memref_squeeze %dma_start3A_43 : memref<1x40xi32, #tpu.memory_space<vmem>> -> memref<40xi32, #tpu.memory_space<vmem>>
        %dma_start3A_45 = arith.constant 0 : i32
        %dma_start3A_46 = arith.constant 0 : i32
        %dma_start3A_47 = tpu.memref_slice %arg10[%dma_start3A_45, %dma_start3A_46] : memref<10000x128xf32, #tpu.memory_space<vmem_shared>> -> memref<10000x128xf32, #tpu.memory_space<vmem_shared>>
        tpu.enqueue_indirect_dma source(%arg8 : memref<40x128xf32, #tpu.memory_space<vmem>>) target(%dma_start3A_47 : memref<10000x128xf32, #tpu.memory_space<vmem_shared>>) offsets(%dma_start3A_44 : memref<40xi32, #tpu.memory_space<vmem>>) semaphore(%run_scoped3A : memref<!tpu.dma_semaphore, #tpu.memory_space<semaphore_mem>>) {add = true}
        %dma_wait3A_48 = arith.constant 0 : i32
        %dma_wait3A_49 = tpu.memref_slice %arg7[%scan3A_29, %dma_wait3A_48] : memref<250x40xi32, #tpu.memory_space<vmem>> -> memref<1x40xi32, #tpu.memory_space<vmem>>
        %dma_wait3A_50 = tpu.memref_squeeze %dma_wait3A_49 : memref<1x40xi32, #tpu.memory_space<vmem>> -> memref<40xi32, #tpu.memory_space<vmem>>
        %dma_wait3A_51 = arith.constant 0 : i32
        %dma_wait3A_52 = arith.constant 0 : i32
        %dma_wait3A_53 = tpu.memref_slice %arg10[%dma_wait3A_51, %dma_wait3A_52] : memref<10000x128xf32, #tpu.memory_space<vmem_shared>> -> memref<10000x128xf32, #tpu.memory_space<vmem_shared>>
        tpu.wait_indirect_dma semaphore(%run_scoped3A : memref<!tpu.dma_semaphore, #tpu.memory_space<semaphore_mem>>) src(%arg8 : memref<40x128xf32, #tpu.memory_space<vmem>>) dst(%dma_wait3A_53 : memref<10000x128xf32, #tpu.memory_space<vmem_shared>>)
        tpu.yield
      }) : () -> ()
      %scan3A_41 = arith.constant 0 : i32
      scf.yield %scan3A_41 : i32
    }
    %scan3A_25 = arith.constant 250 : i32
    %barrier3A_26 = arith.constant 0 : index
    tpu.barrier barrier_id(%barrier3A_26)
    %eq3A = arith.constant 0 : i32
    %eq3A_27 = arith.cmpi eq, %arg1, %eq3A : i32
    %convert_element_type3A = arith.extui %eq3A_27 : i1 to i32
    %cond3A = arith.constant 0 : i32
    %cond3A_28 = arith.cmpi ne, %convert_element_type3A, %cond3A : i32
    scf.if %cond3A_28 {
      "tpu.region"() ({
        %run_scoped3A = tpu.sem_alloc : memref<!tpu.dma_semaphore, #tpu.memory_space<semaphore_mem>>
        %dma_start3A = arith.constant 0 : i32
        %dma_start3A_29 = arith.constant 0 : i32
        %dma_start3A_30 = tpu.memref_slice %arg5[%arg0, %dma_start3A, %dma_start3A_29] : memref<2x10000x128xf32, #tpu.memory_space<hbm>> -> memref<1x10000x128xf32, #tpu.memory_space<hbm>>
        %dma_start3A_31 = tpu.memref_squeeze %dma_start3A_30 : memref<1x10000x128xf32, #tpu.memory_space<hbm>> -> memref<10000x128xf32, #tpu.memory_space<hbm>>
        tpu.enqueue_dma source(%arg10 : memref<10000x128xf32, #tpu.memory_space<vmem_shared>>) target(%dma_start3A_31 : memref<10000x128xf32, #tpu.memory_space<hbm>>) target_semaphore(%run_scoped3A : memref<!tpu.dma_semaphore, #tpu.memory_space<semaphore_mem>>)
        %dma_wait3A = arith.constant 0 : i32
        %dma_wait3A_32 = arith.constant 0 : i32
        %dma_wait3A_33 = tpu.memref_slice %arg5[%arg0, %dma_wait3A, %dma_wait3A_32] : memref<2x10000x128xf32, #tpu.memory_space<hbm>> -> memref<1x10000x128xf32, #tpu.memory_space<hbm>>
        %dma_wait3A_34 = tpu.memref_squeeze %dma_wait3A_33 : memref<1x10000x128xf32, #tpu.memory_space<hbm>> -> memref<10000x128xf32, #tpu.memory_space<hbm>>
        tpu.wait_dma2 semaphore(%run_scoped3A : memref<!tpu.dma_semaphore, #tpu.memory_space<semaphore_mem>>) src(%arg10 : memref<10000x128xf32, #tpu.memory_space<vmem_shared>>) dst(%dma_wait3A_34 : memref<10000x128xf32, #tpu.memory_space<hbm>>)
        tpu.yield
      }) : () -> ()
    } else {
    }
    return
  }
}

module attributes {stable_mosaic.version = 14 : i64} {
  func.func @_tc1_body(%arg0: i32, %arg1: memref<1000x128xf32, #tpu.memory_space<vmem>>, %arg2: memref<2x1000x16xf32, #tpu.memory_space<vmem>>, %arg3: memref<2x1000x16xf32, #tpu.memory_space<vmem>>, %arg4: memref<128x128xf32, #tpu.memory_space<vmem>>, %arg5: memref<1000x128xf32, #tpu.memory_space<vmem>>, %arg6: memref<1000x1xf32, #tpu.memory_space<vmem>>, %arg7: memref<1000x1xf32, #tpu.memory_space<vmem>>) attributes {dimension_semantics = [#tpu.dimension_semantics<arbitrary>], iteration_bounds = array<i64: 10>, scalar_prefetch = 0 : i64, scratch_operands = 0 : i64, tpu.core_type = #tpu.core_type<tc>, window_params = [{transform_indices = @transform_0, window_bounds = array<i64: 1000, 128>}, {transform_indices = @transform_1, window_bounds = array<i64: 2, 1000, 16>}, {transform_indices = @transform_2, window_bounds = array<i64: 2, 1000, 16>}, {pipeline_mode = #tpu.pipeline_mode<synchronous>, transform_indices = @transform_3, window_bounds = array<i64: 128, 128>}, {transform_indices = @transform_4, window_bounds = array<i64: 1000, 128>}, {transform_indices = @transform_5, window_bounds = array<i64: 1000, 1>}, {transform_indices = @transform_6, window_bounds = array<i64: 1000, 1>}]} {
    %get3A = arith.constant 0 : index
    %get3A_0 = arith.constant 0 : index
    %get3A_1 = arith.constant 0 : index
    %get3A_2 = vector.load %arg2[%get3A, %get3A_0, %get3A_1] : memref<2x1000x16xf32, #tpu.memory_space<vmem>>, vector<1x1000x1xf32>
    %get3A_3 = vector.shape_cast %get3A_2 : vector<1x1000x1xf32> to vector<1000x1xf32>
    %get3A_4 = arith.constant 1 : index
    %get3A_5 = arith.constant 0 : index
    %get3A_6 = arith.constant 0 : index
    %get3A_7 = vector.load %arg2[%get3A_4, %get3A_5, %get3A_6] : memref<2x1000x16xf32, #tpu.memory_space<vmem>>, vector<1x1000x1xf32>
    %get3A_8 = vector.shape_cast %get3A_7 : vector<1x1000x1xf32> to vector<1000x1xf32>
    %add3A = arith.addf %get3A_3, %get3A_8 : vector<1000x1xf32>
    %get3A_9 = arith.constant 0 : index
    %get3A_10 = arith.constant 0 : index
    %get3A_11 = arith.constant 0 : index
    %get3A_12 = vector.load %arg3[%get3A_9, %get3A_10, %get3A_11] : memref<2x1000x16xf32, #tpu.memory_space<vmem>>, vector<1x1000x1xf32>
    %get3A_13 = vector.shape_cast %get3A_12 : vector<1x1000x1xf32> to vector<1000x1xf32>
    %get3A_14 = arith.constant 1 : index
    %get3A_15 = arith.constant 0 : index
    %get3A_16 = arith.constant 0 : index
    %get3A_17 = vector.load %arg3[%get3A_14, %get3A_15, %get3A_16] : memref<2x1000x16xf32, #tpu.memory_space<vmem>>, vector<1x1000x1xf32>
    %get3A_18 = vector.shape_cast %get3A_17 : vector<1x1000x1xf32> to vector<1000x1xf32>
    %add3A_19 = arith.addf %get3A_13, %get3A_18 : vector<1000x1xf32>
    %max3A = arith.constant 1.000000e+00 : f32
    %max3A_20 = vector.broadcast %max3A : f32 to vector<1000x1xf32>
    %max3A_21 = arith.maximumf %add3A, %max3A_20 : vector<1000x1xf32>
    %rsqrt3A = math.rsqrt %max3A_21 : vector<1000x1xf32>
    %max3A_22 = arith.constant 1.000000e+00 : f32
    %max3A_23 = vector.broadcast %max3A_22 : f32 to vector<1000x1xf32>
    %max3A_24 = arith.maximumf %add3A_19, %max3A_23 : vector<1000x1xf32>
    %rsqrt3A_25 = math.rsqrt %max3A_24 : vector<1000x1xf32>
    %get3A_26 = arith.constant 0 : index
    %get3A_27 = arith.constant 0 : index
    %get3A_28 = vector.load %arg1[%get3A_26, %get3A_27] : memref<1000x128xf32, #tpu.memory_space<vmem>>, vector<1000x128xf32>
    %mul3A = vector.broadcast %rsqrt3A : vector<1000x1xf32> to vector<1000x128xf32>
    %mul3A_29 = arith.mulf %get3A_28, %mul3A : vector<1000x128xf32>
    %get3A_30 = arith.constant 0 : index
    %get3A_31 = arith.constant 0 : index
    %get3A_32 = vector.load %arg4[%get3A_30, %get3A_31] : memref<128x128xf32, #tpu.memory_space<vmem>>, vector<128x128xf32>
    %dot_general3A = arith.constant dense<0.000000e+00> : vector<1000x128xf32>
    %dot_general3A_33 = tpu.matmul %mul3A_29, %get3A_32, %dot_general3A {dimension_numbers = #tpu.dot_dimension_numbers<[1], [0], [0], [1], [0, 0, 1, 1], [], []>, transpose_lhs_hint = false} : vector<1000x128xf32>, vector<128x128xf32>, vector<1000x128xf32> -> vector<1000x128xf32>
    %swap3A = arith.constant 0 : index
    %swap3A_34 = arith.constant 0 : index
    %swap3A_35 = vector.load %arg5[%swap3A, %swap3A_34] : memref<1000x128xf32, #tpu.memory_space<vmem>>, vector<1000x128xf32>
    tpu.vector_store %arg5[%swap3A, %swap3A_34], %dot_general3A_33 {strides = array<i32>} : memref<1000x128xf32, #tpu.memory_space<vmem>>, vector<1000x128xf32>,
    %swap3A_36 = arith.constant 0 : index
    %swap3A_37 = arith.constant 0 : index
    %swap3A_38 = vector.load %arg6[%swap3A_36, %swap3A_37] : memref<1000x1xf32, #tpu.memory_space<vmem>>, vector<1000x1xf32>
    tpu.vector_store %arg6[%swap3A_36, %swap3A_37], %rsqrt3A {strides = array<i32>} : memref<1000x1xf32, #tpu.memory_space<vmem>>, vector<1000x1xf32>,
    %swap3A_39 = arith.constant 0 : index
    %swap3A_40 = arith.constant 0 : index
    %swap3A_41 = vector.load %arg7[%swap3A_39, %swap3A_40] : memref<1000x1xf32, #tpu.memory_space<vmem>>, vector<1000x1xf32>
    tpu.vector_store %arg7[%swap3A_39, %swap3A_40], %rsqrt3A_25 {strides = array<i32>} : memref<1000x1xf32, #tpu.memory_space<vmem>>, vector<1000x1xf32>,
    return
  }
  func.func @transform_0(%arg0: i32) -> (i32, i32) {
    %c0_i32 = arith.constant 0 : i32
    %c0_i32_0 = arith.constant 0 : i32
    return %arg0, %c0_i32 : i32, i32
  }
  func.func @transform_1(%arg0: i32) -> (i32, i32, i32) {
    %c0_i32 = arith.constant 0 : i32
    %c0_i32_0 = arith.constant 0 : i32
    %c0_i32_1 = arith.constant 0 : i32
    return %c0_i32, %arg0, %c0_i32_0 : i32, i32, i32
  }
  func.func @transform_2(%arg0: i32) -> (i32, i32, i32) {
    %c0_i32 = arith.constant 0 : i32
    %c0_i32_0 = arith.constant 0 : i32
    %c0_i32_1 = arith.constant 0 : i32
    return %c0_i32, %arg0, %c0_i32_0 : i32, i32, i32
  }
  func.func @transform_3(%arg0: i32) -> (i32, i32) {
    %c0_i32 = arith.constant 0 : i32
    %c0_i32_0 = arith.constant 0 : i32
    %c0_i32_1 = arith.constant 0 : i32
    return %c0_i32, %c0_i32_0 : i32, i32
  }
  func.func @transform_4(%arg0: i32) -> (i32, i32) {
    %c0_i32 = arith.constant 0 : i32
    %c0_i32_0 = arith.constant 0 : i32
    return %arg0, %c0_i32 : i32, i32
  }
  func.func @transform_5(%arg0: i32) -> (i32, i32) {
    %c0_i32 = arith.constant 0 : i32
    %c0_i32_0 = arith.constant 0 : i32
    return %arg0, %c0_i32 : i32, i32
  }
  func.func @transform_6(%arg0: i32) -> (i32, i32) {
    %c0_i32 = arith.constant 0 : i32
    %c0_i32_0 = arith.constant 0 : i32
    return %arg0, %c0_i32 : i32, i32
  }
}

module attributes {stable_mosaic.version = 14 : i64} {
  func.func @_tc2_body(%arg0: i32, %arg1: memref<2x1000x128xf32, #tpu.memory_space<vmem>>, %arg2: memref<1000x1xf32, #tpu.memory_space<vmem>>, %arg3: memref<1000x1xf32, #tpu.memory_space<vmem>>, %arg4: memref<1x128xf32, #tpu.memory_space<vmem>>, %arg5: memref<128x128xf32, #tpu.memory_space<vmem>>, %arg6: memref<1000x128xf32, #tpu.memory_space<vmem>>) attributes {dimension_semantics = [#tpu.dimension_semantics<arbitrary>], iteration_bounds = array<i64: 10>, scalar_prefetch = 0 : i64, scratch_operands = 0 : i64, tpu.core_type = #tpu.core_type<tc>, window_params = [{transform_indices = @transform_0, window_bounds = array<i64: 2, 1000, 128>}, {transform_indices = @transform_1, window_bounds = array<i64: 1000, 1>}, {transform_indices = @transform_2, window_bounds = array<i64: 1000, 1>}, {pipeline_mode = #tpu.pipeline_mode<synchronous>, transform_indices = @transform_3, window_bounds = array<i64: 1, 128>}, {pipeline_mode = #tpu.pipeline_mode<synchronous>, transform_indices = @transform_4, window_bounds = array<i64: 128, 128>}, {transform_indices = @transform_5, window_bounds = array<i64: 1000, 128>}]} {
    %get3A = arith.constant 0 : index
    %get3A_0 = arith.constant 0 : index
    %get3A_1 = arith.constant 0 : index
    %get3A_2 = vector.load %arg1[%get3A, %get3A_0, %get3A_1] : memref<2x1000x128xf32, #tpu.memory_space<vmem>>, vector<1x1000x128xf32>
    %get3A_3 = vector.shape_cast %get3A_2 : vector<1x1000x128xf32> to vector<1000x128xf32>
    %get3A_4 = arith.constant 1 : index
    %get3A_5 = arith.constant 0 : index
    %get3A_6 = arith.constant 0 : index
    %get3A_7 = vector.load %arg1[%get3A_4, %get3A_5, %get3A_6] : memref<2x1000x128xf32, #tpu.memory_space<vmem>>, vector<1x1000x128xf32>
    %get3A_8 = vector.shape_cast %get3A_7 : vector<1x1000x128xf32> to vector<1000x128xf32>
    %add3A = arith.addf %get3A_3, %get3A_8 : vector<1000x128xf32>
    %get3A_9 = arith.constant 0 : index
    %get3A_10 = arith.constant 0 : index
    %get3A_11 = vector.load %arg2[%get3A_9, %get3A_10] : memref<1000x1xf32, #tpu.memory_space<vmem>>, vector<1000x1xf32>
    %mul3A = vector.broadcast %get3A_11 : vector<1000x1xf32> to vector<1000x128xf32>
    %mul3A_12 = arith.mulf %add3A, %mul3A : vector<1000x128xf32>
    %get3A_13 = arith.constant 0 : index
    %get3A_14 = arith.constant 0 : index
    %get3A_15 = vector.load %arg4[%get3A_13, %get3A_14] : memref<1x128xf32, #tpu.memory_space<vmem>>, vector<1x128xf32>
    %add3A_16 = vector.broadcast %get3A_15 : vector<1x128xf32> to vector<1000x128xf32>
    %add3A_17 = arith.addf %mul3A_12, %add3A_16 : vector<1000x128xf32>
    %max3A = arith.constant 0.000000e+00 : f32
    %max3A_18 = vector.broadcast %max3A : f32 to vector<1000x128xf32>
    %max3A_19 = arith.maximumf %add3A_17, %max3A_18 : vector<1000x128xf32>
    %get3A_20 = arith.constant 0 : index
    %get3A_21 = arith.constant 0 : index
    %get3A_22 = vector.load %arg3[%get3A_20, %get3A_21] : memref<1000x1xf32, #tpu.memory_space<vmem>>, vector<1000x1xf32>
    %mul3A_23 = vector.broadcast %get3A_22 : vector<1000x1xf32> to vector<1000x128xf32>
    %mul3A_24 = arith.mulf %max3A_19, %mul3A_23 : vector<1000x128xf32>
    %get3A_25 = arith.constant 0 : index
    %get3A_26 = arith.constant 0 : index
    %get3A_27 = vector.load %arg5[%get3A_25, %get3A_26] : memref<128x128xf32, #tpu.memory_space<vmem>>, vector<128x128xf32>
    %dot_general3A = arith.constant dense<0.000000e+00> : vector<1000x128xf32>
    %dot_general3A_28 = tpu.matmul %mul3A_24, %get3A_27, %dot_general3A {dimension_numbers = #tpu.dot_dimension_numbers<[1], [0], [0], [1], [0, 0, 1, 1], [], []>, transpose_lhs_hint = false} : vector<1000x128xf32>, vector<128x128xf32>, vector<1000x128xf32> -> vector<1000x128xf32>
    %swap3A = arith.constant 0 : index
    %swap3A_29 = arith.constant 0 : index
    %swap3A_30 = vector.load %arg6[%swap3A, %swap3A_29] : memref<1000x128xf32, #tpu.memory_space<vmem>>, vector<1000x128xf32>
    tpu.vector_store %arg6[%swap3A, %swap3A_29], %dot_general3A_28 {strides = array<i32>} : memref<1000x128xf32, #tpu.memory_space<vmem>>, vector<1000x128xf32>,
    return
  }
  func.func @transform_0(%arg0: i32) -> (i32, i32, i32) {
    %c0_i32 = arith.constant 0 : i32
    %c0_i32_0 = arith.constant 0 : i32
    %c0_i32_1 = arith.constant 0 : i32
    return %c0_i32, %arg0, %c0_i32_0 : i32, i32, i32
  }
  func.func @transform_1(%arg0: i32) -> (i32, i32) {
    %c0_i32 = arith.constant 0 : i32
    %c0_i32_0 = arith.constant 0 : i32
    return %arg0, %c0_i32 : i32, i32
  }
  func.func @transform_2(%arg0: i32) -> (i32, i32) {
    %c0_i32 = arith.constant 0 : i32
    %c0_i32_0 = arith.constant 0 : i32
    return %arg0, %c0_i32 : i32, i32
  }
  func.func @transform_3(%arg0: i32) -> (i32, i32) {
    %c0_i32 = arith.constant 0 : i32
    %c0_i32_0 = arith.constant 0 : i32
    %c0_i32_1 = arith.constant 0 : i32
    return %c0_i32, %c0_i32_0 : i32, i32
  }
  func.func @transform_4(%arg0: i32) -> (i32, i32) {
    %c0_i32 = arith.constant 0 : i32
    %c0_i32_0 = arith.constant 0 : i32
    %c0_i32_1 = arith.constant 0 : i32
    return %c0_i32, %c0_i32_0 : i32, i32
  }
  func.func @transform_5(%arg0: i32) -> (i32, i32) {
    %c0_i32 = arith.constant 0 : i32
    %c0_i32_0 = arith.constant 0 : i32
    return %arg0, %c0_i32 : i32, i32
  }
}

module attributes {stable_mosaic.version = 14 : i64} {
  func.func @_tc3_body(%arg0: i32, %arg1: memref<2x1000x128xf32, #tpu.memory_space<vmem>>, %arg2: memref<1000x1xf32, #tpu.memory_space<vmem>>, %arg3: memref<1x128xf32, #tpu.memory_space<vmem>>, %arg4: memref<1x128xf32, #tpu.memory_space<vmem>>, %arg5: memref<1x1xf32, #tpu.memory_space<vmem>>, %arg6: memref<1x1xf32, #tpu.memory_space<vmem>>, %arg7: memref<1x128xf32, #tpu.memory_space<vmem>>) attributes {dimension_semantics = [#tpu.dimension_semantics<arbitrary>], iteration_bounds = array<i64: 10>, scalar_prefetch = 0 : i64, scratch_operands = 1 : i64, tpu.core_type = #tpu.core_type<tc>, window_params = [{transform_indices = @transform_0, window_bounds = array<i64: 2, 1000, 128>}, {transform_indices = @transform_1, window_bounds = array<i64: 1000, 1>}, {pipeline_mode = #tpu.pipeline_mode<synchronous>, transform_indices = @transform_2, window_bounds = array<i64: 1, 128>}, {pipeline_mode = #tpu.pipeline_mode<synchronous>, transform_indices = @transform_3, window_bounds = array<i64: 1, 128>}, {pipeline_mode = #tpu.pipeline_mode<synchronous>, transform_indices = @transform_4, window_bounds = array<i64: 1, 1>}, {pipeline_mode = #tpu.pipeline_mode<synchronous>, transform_indices = @transform_5, window_bounds = array<i64: 1, 1>}]} {
    %get3A = arith.constant 0 : index
    %get3A_0 = arith.constant 0 : index
    %get3A_1 = arith.constant 0 : index
    %get3A_2 = vector.load %arg1[%get3A, %get3A_0, %get3A_1] : memref<2x1000x128xf32, #tpu.memory_space<vmem>>, vector<1x1000x128xf32>
    %get3A_3 = vector.shape_cast %get3A_2 : vector<1x1000x128xf32> to vector<1000x128xf32>
    %get3A_4 = arith.constant 1 : index
    %get3A_5 = arith.constant 0 : index
    %get3A_6 = arith.constant 0 : index
    %get3A_7 = vector.load %arg1[%get3A_4, %get3A_5, %get3A_6] : memref<2x1000x128xf32, #tpu.memory_space<vmem>>, vector<1x1000x128xf32>
    %get3A_8 = vector.shape_cast %get3A_7 : vector<1x1000x128xf32> to vector<1000x128xf32>
    %add3A = arith.addf %get3A_3, %get3A_8 : vector<1000x128xf32>
    %get3A_9 = arith.constant 0 : index
    %get3A_10 = arith.constant 0 : index
    %get3A_11 = vector.load %arg2[%get3A_9, %get3A_10] : memref<1000x1xf32, #tpu.memory_space<vmem>>, vector<1000x1xf32>
    %mul3A = vector.broadcast %get3A_11 : vector<1000x1xf32> to vector<1000x128xf32>
    %mul3A_12 = arith.mulf %add3A, %mul3A : vector<1000x128xf32>
    %get3A_13 = arith.constant 0 : index
    %get3A_14 = arith.constant 0 : index
    %get3A_15 = vector.load %arg3[%get3A_13, %get3A_14] : memref<1x128xf32, #tpu.memory_space<vmem>>, vector<1x128xf32>
    %add3A_16 = vector.broadcast %get3A_15 : vector<1x128xf32> to vector<1000x128xf32>
    %add3A_17 = arith.addf %mul3A_12, %add3A_16 : vector<1000x128xf32>
    %max3A = arith.constant 0.000000e+00 : f32
    %max3A_18 = vector.broadcast %max3A : f32 to vector<1000x128xf32>
    %max3A_19 = arith.maximumf %add3A_17, %max3A_18 : vector<1000x128xf32>
    %reduce_sum3A = arith.constant dense<0.000000e+00> : vector<128xf32>
    %reduce_sum3A_20 = vector.multi_reduction <add>, %max3A_19, %reduce_sum3A [0] : vector<1000x128xf32> to vector<128xf32>
    %broadcast_in_dim3A = vector.shape_cast %reduce_sum3A_20 : vector<128xf32> to vector<1x128xf32>
    %eq3A = arith.constant 0 : i32
    %eq3A_21 = arith.cmpi eq, %arg0, %eq3A : i32
    %convert_element_type3A = arith.extui %eq3A_21 : i1 to i32
    %cond3A = arith.constant 0 : i32
    %cond3A_22 = arith.cmpi ne, %convert_element_type3A, %cond3A : i32
    scf.if %cond3A_22 {
      %broadcast_in_dim3A_34 = arith.constant 0.000000e+00 : f32
      %broadcast_in_dim3A_35 = vector.broadcast %broadcast_in_dim3A_34 : f32 to vector<1x128xf32>
      %swap3A_36 = arith.constant 0 : index
      %swap3A_37 = arith.constant 0 : index
      %swap3A_38 = vector.load %arg7[%swap3A_36, %swap3A_37] : memref<1x128xf32, #tpu.memory_space<vmem>>, vector<1x128xf32>
      tpu.vector_store %arg7[%swap3A_36, %swap3A_37], %broadcast_in_dim3A_35 {strides = array<i32>} : memref<1x128xf32, #tpu.memory_space<vmem>>, vector<1x128xf32>,
    } else {
    }
    %get3A_23 = arith.constant 0 : index
    %get3A_24 = arith.constant 0 : index
    %get3A_25 = vector.load %arg7[%get3A_23, %get3A_24] : memref<1x128xf32, #tpu.memory_space<vmem>>, vector<1x128xf32>
    %add3A_26 = arith.addf %get3A_25, %broadcast_in_dim3A : vector<1x128xf32>
    %swap3A = arith.constant 0 : index
    %swap3A_27 = arith.constant 0 : index
    %swap3A_28 = vector.load %arg7[%swap3A, %swap3A_27] : memref<1x128xf32, #tpu.memory_space<vmem>>, vector<1x128xf32>
    tpu.vector_store %arg7[%swap3A, %swap3A_27], %add3A_26 {strides = array<i32>} : memref<1x128xf32, #tpu.memory_space<vmem>>, vector<1x128xf32>,
    %eq3A_29 = arith.constant 9 : i32
    %eq3A_30 = arith.cmpi eq, %arg0, %eq3A_29 : i32
    %convert_element_type3A_31 = arith.extui %eq3A_30 : i1 to i32
    %cond3A_32 = arith.constant 0 : i32
    %cond3A_33 = arith.cmpi ne, %convert_element_type3A_31, %cond3A_32 : i32
    scf.if %cond3A_33 {
      %get3A_34 = arith.constant 0 : index
      %get3A_35 = arith.constant 0 : index
      %get3A_36 = vector.load %arg7[%get3A_34, %get3A_35] : memref<1x128xf32, #tpu.memory_space<vmem>>, vector<1x128xf32>
      %mul3A_37 = arith.constant 9.99999974E-5 : f32
      %mul3A_38 = vector.broadcast %mul3A_37 : f32 to vector<1x128xf32>
      %mul3A_39 = arith.mulf %get3A_36, %mul3A_38 : vector<1x128xf32>
      %get3A_40 = arith.constant 0 : index
      %get3A_41 = arith.constant 0 : index
      %get3A_42 = vector.load %arg4[%get3A_40, %get3A_41] : memref<1x128xf32, #tpu.memory_space<vmem>>, vector<1x128xf32>
      %mul3A_43 = arith.mulf %mul3A_39, %get3A_42 : vector<1x128xf32>
      %reduce_sum3A_44 = arith.constant dense<0.000000e+00> : vector<1xf32>
      %reduce_sum3A_45 = vector.multi_reduction <add>, %mul3A_43, %reduce_sum3A_44 [1] : vector<1x128xf32> to vector<1xf32>
      %broadcast_in_dim3A_46 = vector.shape_cast %reduce_sum3A_45 : vector<1xf32> to vector<1x1xf32>
      %get3A_47 = arith.constant 0 : index
      %get3A_48 = arith.constant 0 : index
      %get3A_49 = vector.load %arg5[%get3A_47, %get3A_48] : memref<1x1xf32, #tpu.memory_space<vmem>>, vector<1x1xf32>
      %add3A_50 = arith.addf %broadcast_in_dim3A_46, %get3A_49 : vector<1x1xf32>
      %swap3A_51 = arith.constant 0 : index
      %swap3A_52 = arith.constant 0 : index
      %swap3A_53 = vector.load %arg6[%swap3A_51, %swap3A_52] : memref<1x1xf32, #tpu.memory_space<vmem>>, vector<1x1xf32>
      tpu.vector_store %arg6[%swap3A_51, %swap3A_52], %add3A_50 {strides = array<i32>} : memref<1x1xf32, #tpu.memory_space<vmem>>, vector<1x1xf32>,
    } else {
    }
    return
  }
  func.func @transform_0(%arg0: i32) -> (i32, i32, i32) {
    %c0_i32 = arith.constant 0 : i32
    %c0_i32_0 = arith.constant 0 : i32
    %c0_i32_1 = arith.constant 0 : i32
    return %c0_i32, %arg0, %c0_i32_0 : i32, i32, i32
  }
  func.func @transform_1(%arg0: i32) -> (i32, i32) {
    %c0_i32 = arith.constant 0 : i32
    %c0_i32_0 = arith.constant 0 : i32
    return %arg0, %c0_i32 : i32, i32
  }
  func.func @transform_2(%arg0: i32) -> (i32, i32) {
    %c0_i32 = arith.constant 0 : i32
    %c0_i32_0 = arith.constant 0 : i32
    %c0_i32_1 = arith.constant 0 : i32
    return %c0_i32, %c0_i32_0 : i32, i32
  }
  func.func @transform_3(%arg0: i32) -> (i32, i32) {
    %c0_i32 = arith.constant 0 : i32
    %c0_i32_0 = arith.constant 0 : i32
    %c0_i32_1 = arith.constant 0 : i32
    return %c0_i32, %c0_i32_0 : i32, i32
  }
  func.func @transform_4(%arg0: i32) -> (i32, i32) {
    %c0_i32 = arith.constant 0 : i32
    %c0_i32_0 = arith.constant 0 : i32
    %c0_i32_1 = arith.constant 0 : i32
    return %c0_i32, %c0_i32_0 : i32, i32
  }
  func.func @transform_5(%arg0: i32) -> (i32, i32) {
    %c0_i32 = arith.constant 0 : i32
    %c0_i32_0 = arith.constant 0 : i32
    %c0_i32_1 = arith.constant 0 : i32
    return %c0_i32, %c0_i32_0 : i32, i32
  }
}

</mosaic_0001>

<sc_bundles>
// kernel: kernel.11.cloned.1.call-start
scs
__scs_entry_jumppad:
0x0: {  	(pc) =	sbr.rel $0x88, $3  }
0x1: {  	(tag) =	ssettag $0x0;
	lr =	simm.s32 $0x1  }
0x2: {  	[smem:$0x3F99] =	sst lr;
	_ =	strace $0xD0000000  }
0x3: {  	_ = 	snop  }
0x4: {  	_ = 	snop  }
0x5: {  	_ = 	snop  }
0x6: {  	_ = 	snop  }
0x7: {  	_ = 	snop  }
__scs_overlays_trampoline_lowered:
0x8: {  	[smem:$0x3FA8] =	sst s0  }
0x9: {  	[smem:$0x3FA9] =	sst s1  }
0xa: {  	[smem:$0x3FAA] =	sst s2  }
0xb: {  	[smem:$0x3FAB] =	sst s3  }
0xc: {  	[smem:$0x3FAC] =	sst s4  }
0xd: {  	[smem:$0x3FAD] =	sst s5  }
0xe: {  	[smem:$0x3FAE] =	sst s6  }
0xf: {  	[smem:$0x3FAF] =	sst s7  }
0x10: {  	[smem:$0x3FB0] =	sst s8  }
0x11: {  	[smem:$0x3FB1] =	sst s9;
	s0 =	simm.s32 @!p0 $0x0  }
0x12: {  	s1 =	sld [smem:$0x3F97];
	s0 =	simm.s32 @p0 $0x1  }
0x13: {  	[smem:$0x3FB2] =	sst s0;
	s0 =	simm.s32 @!p1 $0x0  }
0x14: {  	s2 =	sld [smem:$0x3F96];
	s0 =	simm.s32 @p1 $0x1  }
0x15: {  	[smem:$0x3FB3] =	sst s0;
	s0 =	simm.s32 @!p2 $0x0  }
0x16: {  	s3 =	sld [smem:$0x3FDB];
	s0 =	simm.s32 @p2 $0x1  }
0x17: {  	s4 =	simm.s32 $0x1BF5;
	[smem:$0x3FB5] =	sst s0  }
0x18: {  	s0 =	sld [smem:$0x3F98];
	_ =	swait.ge [sflag:s4], $0x0  }
0x19: {  	s7 =	sld [smem:$0x3F99]  }
0x1a: {  	s8 =	sadd.s32 $0xFFFFE003, lr  }
0x1b: {  	s9 =	sadd.s32 $0xFFFFFEF7, lr;
	s5 =	simm.s32 $0xFFFFFFFF;
	p2 =	slt.u32 s8, $0xFFFFF086  }
0x1c: {  	p1 =	slt.u32 s9, $0xF7A;
	s5 =	simm.s32 @!p2 $0x0  }
0x1d: {  	s5 =	simm.s32 @p1 $0x1;
	p0 =	seq.s32 s7, s2  }
0x1e: {  	s7 =	smul.u32 @!p0 $0xF7A, s2;
	p2 =	seq.s32 @!p0 s5, $0x0  }
0x1f: {  	s9 =	smul.u32 $0xF7A, s1;
	s8 =	simm.s32 @!p0 $0x1BF5;
	p2 =	por !p2, p0  }
0x20: {  	[sflag:s8] =	ssyncset.s32 @!p0 $0xFFFFF086;
	s6 =	sadd.s32 @!p0 s3, s7;
	s7 =	simm.s32 @!p0 $0x108  }
0x21: {  	s3 =	sadd.s32 s3, s9;
	s6 =	sadd.s32 @!p0 $0x88, s6;
	s7 =	simm.s32 @p2 $0x1082  }
0x22: {  	[simem:s7], [sflag:s8] =	dma.local @!p0 [hbm:s6], $0xF7A  }
0x23: {  	s9 =	sor.u32 $0xD0000000, s2;
	s6 =	simm.s32 $0x108;
	_ =	swait.ge @!p0 [sflag:s8], $0x0  }
0x24: {  	s3 =	sadd.s32 $0x88, s3;
	s6 =	simm.s32 @!p1 $0x1082;
	[sflag:s4] =	ssyncset.s32 $0xFFFFF086  }
0x25: {  	[simem:s6], [sflag:s4] =	dma.local [hbm:s3], $0xF7A  }
0x26: {  	[smem:$0x3F99] =	sst s1;
	(tag) =	ssettag s2;
	_ =	strace s9  }
0x27: {  	s1 =	sld [smem:$0x3FA9]  }
0x28: {  	s2 =	sld [smem:$0x3FAA]  }
0x29: {  	s4 =	sld [smem:$0x3FAC]  }
0x2a: {  	p0 =	seq.s32 s5, $0x0;
	s5 =	sld [smem:$0x3FAD]  }
0x2b: {  	s6 =	sld [smem:$0x3FAE]  }
0x2c: {  	s7 =	sld [smem:$0x3FAF]  }
0x2d: {  	s3 =	simm.s32 $0x108;
	s8 =	sld [smem:$0x3FB0]  }
0x2e: {  	s3 =	simm.s32 @!p0 $0x1082;
	s9 =	sld [smem:$0x3FB1]  }
0x2f: {  	lr =	sadd.s32 s0, s3;
	s0 =	sld [smem:$0x3FA8]  }
0x30: {  	s3 =	sld [smem:$0x3FAB]  }
0x31: {  	[smem:$0x3FB4] =	sst s10  }
0x32: {  	s10 =	sld [smem:$0x3FB2];
	_ =	sdelay $0x3  }
0x33: {  	p0 =	seq.s32 s10, $0x1;
	s10 =	sld [smem:$0x3FB4];
	_ =	sdelay $0x3  }
0x34: {  	[smem:$0x3FB4] =	sst s10  }
0x35: {  	s10 =	sld [smem:$0x3FB3];
	_ =	sdelay $0x3  }
0x36: {  	p1 =	seq.s32 s10, $0x1;
	s10 =	sld [smem:$0x3FB4];
	_ =	sdelay $0x3  }
0x37: {  	[smem:$0x3FB4] =	sst s10  }
0x38: {  	s10 =	sld [smem:$0x3FB5]  }
0x39: {  	_ = 	snop;
	(pc) =	sbr.ind lr, $3  }
0x3a: {  	_ = 	snop  }
0x3b: {  	_ = 	snop  }
0x3c: {  	p2 =	seq.s32 s10, $0x1;
	s10 =	sld [smem:$0x3FB4]  }
0x3d: {  	_ =	shalt  }
0x3e: {  	_ =	shalt  }
0x3f: {  	_ =	shalt  }
0x40: {  	_ =	shalt  }
0x41: {  	_ =	shalt  }
0x42: {  	_ =	shalt  }
0x43: {  	_ =	shalt  }
0x44: {  	_ =	shalt  }
0x45: {  	_ =	shalt  }
0x46: {  	_ =	shalt  }
0x47: {  	_ =	shalt  }
0x48: {  	_ =	shalt  }
0x49: {  	_ =	shalt  }
0x4a: {  	_ =	shalt  }
0x4b: {  	_ =	shalt  }
0x4c: {  	_ =	shalt  }
0x4d: {  	_ =	shalt  }
0x4e: {  	_ =	shalt  }
0x4f: {  	_ =	shalt  }
0x50: {  	_ =	shalt  }
0x51: {  	_ =	shalt  }
0x52: {  	_ =	shalt  }
0x53: {  	_ =	shalt  }
0x54: {  	_ =	shalt  }
0x55: {  	_ =	shalt  }
0x56: {  	_ =	shalt  }
0x57: {  	_ =	shalt  }
0x58: {  	_ =	shalt  }
0x59: {  	_ =	shalt  }
0x5a: {  	_ =	shalt  }
0x5b: {  	_ =	shalt  }
0x5c: {  	_ =	shalt  }
0x5d: {  	_ =	shalt  }
0x5e: {  	_ =	shalt  }
0x5f: {  	_ =	shalt  }
0x60: {  	_ =	shalt  }
0x61: {  	_ =	shalt  }
0x62: {  	_ =	shalt  }
0x63: {  	_ =	shalt  }
0x64: {  	_ =	shalt  }
0x65: {  	_ =	shalt  }
0x66: {  	_ =	shalt  }
0x67: {  	_ =	shalt  }
0x68: {  	_ =	shalt  }
0x69: {  	_ =	shalt  }
0x6a: {  	_ =	shalt  }
0x6b: {  	_ =	shalt  }
0x6c: {  	_ =	shalt  }
0x6d: {  	_ =	shalt  }
0x6e: {  	_ =	shalt  }
0x6f: {  	_ =	shalt  }
0x70: {  	_ =	shalt  }
0x71: {  	_ =	shalt  }
0x72: {  	_ =	shalt  }
0x73: {  	_ =	shalt  }
0x74: {  	_ =	shalt  }
0x75: {  	_ =	shalt  }
0x76: {  	_ =	shalt  }
0x77: {  	_ =	shalt  }
0x78: {  	_ =	shalt  }
0x79: {  	_ =	shalt  }
0x7a: {  	_ =	shalt  }
0x7b: {  	_ =	shalt  }
0x7c: {  	_ =	shalt  }
0x7d: {  	_ =	shalt  }
0x7e: {  	_ =	shalt  }
0x7f: {  	_ =	shalt  }
0x80: {  	_ =	shalt  }
0x81: {  	_ =	shalt  }
0x82: {  	_ =	shalt  }
0x83: {  	_ =	shalt  }
0x84: {  	_ =	shalt  }
0x85: {  	_ =	shalt  }
0x86: {  	_ =	shalt  }
0x87: {  	_ =	shalt  }
.Lfunc_end0:
.L_simem_size_0:
called_computation.1_lowered:
.L_overlay_start_0:
0x88: {  	s2 =	sld [smem:$0x3FD9]  }
0x89: {  	s3 =	sld [smem:$0x3FFE];
	_ =	sdelay $0x1  }
0x8a: {  	s1 =	srdreg.scid  }
0x8b: {  	s0 =	sand.u32 $0x1, s1  }
0x8c: {  	s16 =	sshll.u32 s0, $0xA;
	s2 =	sadd.s32 s3, s2  }
0x8d: {  	s2 =	sadd.s32 s2, s16  }
0x8e: {  	[smem:$0x3FC0] =	sst s2  }
0x8f: {  	_ = 	snop  }
0x90: {  	(tm) =	ssettm $0x1  }
0x91: {  	s17 =	sld [smem:$0x3FFB];
	_ =	sdelay $0x3  }
0x92: {  	_ =	strace s17  }
0x93: {  	s2 =	sld [smem:$0x3FFC];
	_ =	sdelay $0x3  }
0x94: {  	_ =	strace s2  }
0x95: {  	s2 =	sld [smem:$0x3FFD];
	_ =	sdelay $0x3  }
0x96: {  	_ =	strace s2  }
0x97: {  	_ =	strace $0x8FFFFFFF  }
0x98: {  	s18 =	sld [smem:$0x3FDB];
	_ =	sdelay $0x1  }
0x99: {  	s19 =	simm.s32 $_scs_section_size  }
0x9a: {  	s4 =	simm.s32 $_size__tile_overlayer_lowered;
	s5 =	simm.s32 $_tile_overlayer_lowered  }
0x9b: {  	s22 =	simm.s32 $0x1BFF;
	s21 =	sshll.u32 s5, $0x1;
	s2 =	sadd.s32 s19, s18  }
0x9c: {  	s6 =	simm.s32 $0x0;
	s20 =	sshll.u32 s4, $0x1;
	s4 =	sadd.s32 s21, s2  }
0x9d: {  	[timem:s6], [sflag:s22] =	dma.local [hbm:s4], s20  }
0x9e: {  	_ =	swait.ge [sflag:s22], s20  }
0x9f: {  	s3 =	ssub.s32 $0x0, s20;
	[sflag:s22] =	ssyncset.done $0x0  }
0xa0: {  	[sflag:s22] =	ssyncadd.s32 s3;
	_ =	sdelay $0x1  }
0xa1: {  	s23 =	simm.s32 $0x1B8B  }
0xa2: {  	_ =	swait.ge [sflag:s23], $0x1  }
0xa3: {  	[sflag:s23] =	ssyncset.done $0x0  }
0xa4: {  	s25 =	simm.s32 $0x1B8E;
	s24 =	sld [smem:$0x3FFE];
	[sflag:s23] =	ssyncadd.s32 $0xFFFFFFFF  }
0xa5: {  	s26 =	simm.s32 $execute0_lowered;
	[smem:$0x3FD2] =	sst s25  }
0xa6: {  	s4 =	sshll.u32 s26, $0x1;
	_ =	strace $0x80000049;
	[dreg:$0x1] =	wrdreg $0xFFFFFFFF  }
0xa7: {  	s28 =	simm.s32 $_size_execute0_lowered;
	s2 =	sadd.s32 s2, s4;
	[dreg:$0x0] =	wrdreg $0x0  }
0xa8: {  	s4 =	sshll.u32 s28, $0x1;
	[dreg:$0x2] =	wrdreg s2  }
0xa9: {  	[dreg:$0x3] =	wrdreg s4  }
0xaa: {  	[dreg:$0x4] =	wrdreg $0xC0  }
0xab: {  	_ =	task [dreg:s6], $0x5FFFF  }
0xac: {  	[dreg:$0x1] =	wrdreg $0xFFFFFFFF  }
0xad: {  	[dreg:$0x0] =	wrdreg $0x60  }
0xae: {  	[dreg:$0x2] =	wrdreg s24  }
0xaf: {  	[dreg:$0x3] =	wrdreg $0xA0A00  }
0xb0: {  	[dreg:$0x4] =	wrdreg $0x9  }
0xb1: {  	_ =	task.clear_ibuf [dreg:s6], $0x5FFFF;
	_ =	strace $0x90000049  }
0xb2: {  	s29 =	simm.s32 $0x9;
	_ =	strace $0x8000004B  }
0xb3: {  	_ =	swait.ge [sflag:s29], $0x1  }
0xb4: {  	[sflag:s29] =	ssyncadd.s32 $0xFFFFFFFF  }
0xb5: {  	_ =	strace $0x9000004B  }
0xb6: {  	_ =	sfence  }
0xb7: {  	s30 =	sld [smem:$0x0];
	_ =	sdelay $0x2  }
0xb8: {  	s31 =	sshll.u32 s1, $0xD;
	s1 =	sshrl.u32 s1, $0x2  }
0xb9: {  	s3 =	sand.u32 $0x4000, s31;
	s1 =	sadd.s32 s1, s30  }
0xba: {  	s0 =	sor.u32 s3, s0;
	s1 =	sshll.u32 s1, $0x11  }
0xbb: {  	s0 =	sor.u32 s1, s0  }
0xbc: {  	s0 =	sadd.s32 $0x8F2B, s0  }
0xbd: {  	[sflag:s0] =	ssyncadd.remote.s32 $0x1  }
0xbe: {  	_ =	sfence.sel $0xFFFF  }
0xbf: {  	[dreg:$0x0] =	wrdreg $0xFFFFFFFF;
	(pc) =	sbr.abs _section_cstart, $3  }
0xc0: {  	[dreg:$0x1] =	wrdreg $0xFFFFFFFF  }
0xc1: {  	_ =	task.clear_ibuf [dreg:s6], $0x2FFFF;
	_ =	strace $0x9FFFFFFF  }
0xc2: {  	(tm) =	ssettm $0x7FFFFFFF  }
0xc3: {  	_ =	shalt  }
tec
execute0_lowered:
.L_overlay_start_1:
0x0: {  	(tag) =	ssettag $0x1  }
0x1: {  	s5 =	rddreg [dreg:$0x0]  }
0x2: {  	s1 =	rddreg [dreg:$0x1];
	s2 =	srdreg.scid  }
0x3: {  	s0 =	rddreg [dreg:$0x2];
	s17 =	stileid.u32  }
0x4: {  	s13 =	simm.s32 $0x6220;
	s14 =	simm.s32 $0x2;
	s15 =	simm.s32 $0x2710  }
0x5: {  	s16 =	simm.s32 $0x28;
	s18 =	simm.s32 $0x1;
	s4 =	sand.u32 $0x1, s2  }
0x6: {  	s2 =	simm.s32 $0x0;
	s7 =	smul.u32 $0x4E200, s17;
	p0 =	sne.s32 s17, $0x0  }
0x7: {  	s3 =	sshll.u32 s4, $0x4;
	[smem:$0x7FF] =	sst s2;
	s8 =	smul.u32 $0x27100, s4  }
0x8: {  	s9 =	ssub.s32 $0x2, s4;
	s19 =	sshrl.u32 @!p0 s1, $0x3;
	s6 =	sor.u32 s17, s3  }
0x9: {  	_ =	strace $0x8000004A;
	s3 =	sadd.s32 $0x16000, s5;
	s30 =	sshrl.u32 s7, $0x2  }
0xa: {  	s31 =	sshrl.u32 s9, $0x1;
	s17 =	simm.s32 $0x4E20;
	s6 =	smul.u32 $0x4E2, s6  }
0xb: {  	s4 =	sadd.s32 s30, s1;
	s11 =	sadd.s32 s8, s5;
	s12 =	ssub.s32 s9, s31  }
0xc: {  	s7 =	sadd.s32 $0xBB80, s4;
	s8 =	sadd.s32 $0xFA00, s4;
	s11 =	sadd.s32 $0x3D200, s11  }
0xd: {  	s12 =	smax.u32 s12, $0x1;
	s10 =	sadd.s32 s6, s5;
	s5 =	sadd.s32 $0x3E80, s4  }
0xe: {  	v0 =	vimm.f32 $0.0e+00;
	s6 =	sadd.s32 $0x7D00, s4;
	s9 =	sadd.s32 $0xC200, s10;
	s10 =	sadd.s32 $0x2400, s10  }
.LBB2_1:
0xf: {  	s20 =	simm.s32 $0x0;
	s21 =	simm.s32 $0x200  }
.LBB2_2:
0x10: {  	p1 =	sne.s32 s21, $0xF800;
	[tilespmem:s20+$0x6290] =	vst v0  }
0x11: {  	[tilespmem:s20+$0x6220] =	vst v0  }
0x12: {  	[tilespmem:s20+$0x6230] =	vst v0  }
.Ltmp0:
0x13: {  	[tilespmem:s20+$0x6240] =	vst v0;
	(pc) =	sbr.rel @p1 .LBB2_2-.Ltmp0, $4  }
0x14: {  	[tilespmem:s20+$0x6250] =	vst v0  }
0x15: {  	[tilespmem:s20+$0x6260] =	vst v0  }
0x16: {  	[tilespmem:s20+$0x6270] =	vst v0  }
0x17: {  	[tilespmem:s20+$0x6280] =	vst v0;
	s20 =	sshra.s32 s21, $0x2;
	s21 =	sadd.s32 $0x200, s21  }
0x18: {  	[tilespmem:s20+$0x6290] =	vst v0  }
0x19: {  	[tilespmem:s20+$0x6220] =	vst v0  }
0x1a: {  	[tilespmem:s20+$0x6230] =	vst v0  }
0x1b: {  	[tilespmem:s20+$0x6240] =	vst v0  }
0x1c: {  	[tilespmem:s20+$0x6250] =	vst v0  }
0x1d: {  	[tilespmem:s20+$0x6260] =	vst v0  }
0x1e: {  	[tilespmem:s20+$0x6270] =	vst v0  }
0x1f: {  	[tilespmem:s20+$0x6280] =	vst v0  }
0x20: {  	[spmem:s4] =	stream.linear.scatter [tilespmem:s13], [sflag:$0x2], $0x3E80, $0x38;
	[tilespmem:$0x1D920] =	vst v63  }
0x21: {  	_ =	swait.ge [sflag:s14], $0x3E80  }
0x22: {  	[sflag:s14] =	ssyncset.done $0x0  }
0x23: {  	[sflag:s14] =	ssyncadd.s32 $0xFFFFC180  }
0x24: {  	[spmem:s5] =	stream.linear.scatter [tilespmem:s13], [sflag:$0x2], $0x3E80, $0x38;
	[tilespmem:$0x1D920] =	vst v63  }
0x25: {  	_ =	swait.ge [sflag:s14], $0x3E80  }
0x26: {  	[sflag:s14] =	ssyncset.done $0x0  }
0x27: {  	[sflag:s14] =	ssyncadd.s32 $0xFFFFC180  }
0x28: {  	[spmem:s6] =	stream.linear.scatter [tilespmem:s13], [sflag:$0x2], $0x3E80, $0x38;
	[tilespmem:$0x1D920] =	vst v63  }
0x29: {  	_ =	swait.ge [sflag:s14], $0x3E80  }
0x2a: {  	[sflag:s14] =	ssyncset.done $0x0  }
0x2b: {  	[sflag:s14] =	ssyncadd.s32 $0xFFFFC180  }
0x2c: {  	[spmem:s7] =	stream.linear.scatter [tilespmem:s13], [sflag:$0x2], $0x3E80, $0x38;
	[tilespmem:$0x1D920] =	vst v63  }
0x2d: {  	_ =	swait.ge [sflag:s14], $0x3E80  }
0x2e: {  	[sflag:s14] =	ssyncset.done $0x0  }
0x2f: {  	[sflag:s14] =	ssyncadd.s32 $0xFFFFC180  }
0x30: {  	[spmem:s8] =	stream.linear.scatter [tilespmem:s13], [sflag:$0x2], $0x3E80, $0x38;
	[tilespmem:$0x1D920] =	vst v63  }
0x31: {  	_ =	swait.ge [sflag:s14], $0x3E80  }
0x32: {  	[sflag:s14] =	ssyncset.done $0x0  }
0x33: {  	s29 =	simm.s32 $0x0;
	[sflag:s14] =	ssyncadd.s32 $0xFFFFC180  }
0x34: {  	[tilespmem:s29], [sflag:$0x2] =	stream.linear.gather [hbm4b:s9+s29], $0x2710, $0x38;
	[tilespmem:$0x1D920] =	vst v63  }
0x35: {  	_ =	swait.ge [sflag:s14], $0x2710  }
0x36: {  	[sflag:s14] =	ssyncset.done $0x0  }
0x37: {  	[sflag:s14] =	ssyncadd.s32 $0xFFFFD8F0  }
0x38: {  	[tilespmem:s15], [sflag:$0x2] =	stream.linear.gather [hbm4b:s10+s29], $0x2710, $0x38;
	[tilespmem:$0x1D920] =	vst v63  }
0x39: {  	_ =	swait.ge [sflag:s14], $0x2710  }
0x3a: {  	[sflag:s14] =	ssyncset.done $0x0  }
0x3b: {  	[sflag:s14] =	ssyncadd.s32 $0xFFFFD8F0  }
0x3c: {  	s30 =	simm.s32 $0x0;
	[bflag:$0x0] =	sbarrier.arrive $0xFFFF  }
0x3d: {  	[tilespmem:s17], [sflag:$0x1] =	stream.indirect.gather [hbm4b:s3+s16], $0x80, s30, s16, $0xb8;
	[tilespmem:$0x1D920] =	vst v63  }
0x3e: {  	_ =	swait.ge [sflag:s18], $0x1400  }
0x3f: {  	[sflag:s18] =	ssyncset.done $0x0  }
0x40: {  	s31 =	simm.s32 $0x2710;
	[sflag:s18] =	ssyncadd.s32 $0xFFFFEC00  }
0x41: {  	[spmem:s1] =	stream.indirect.scatter.add.f32 [tilespmem:s17], [sflag:$0x2], $0x80, s31, s16, $0xb8;
	[tilespmem:$0x1D920] =	vst v63  }
0x42: {  	_ =	swait.ge [sflag:s14], $0x1400  }
0x43: {  	s20 =	simm.s32 $0xA0;
	s21 =	simm.s32 $0x140;
	[sflag:s14] =	ssyncset.done $0x0  }
.LBB2_4:
0x44: {  	s22 =	sshra.s32 s20, $0x2  }
0x45: {  	[sflag:s14] =	ssyncadd.s32 $0xFFFFEC00;
	s20 =	smov.u32 s21;
	s23 =	sadd.s32 $0xA0, s21  }
0x46: {  	[tilespmem:s17], [sflag:$0x1] =	stream.indirect.gather [hbm4b:s3+s16], $0x80, s22, s16, $0xb8;
	[tilespmem:$0x1D920] =	vst v63  }
0x47: {  	p1 =	sne.s32 s21, $0x9BA0;
	_ =	swait.ge [sflag:s18], $0x1400  }
.Ltmp1:
0x48: {  	[sflag:s18] =	ssyncset.done $0x0;
	(pc) =	sbr.rel @p1 .LBB2_4-.Ltmp1, $4  }
0x49: {  	s21 =	sadd.s32 $0x2710, s22;
	[sflag:s18] =	ssyncadd.s32 $0xFFFFEC00  }
0x4a: {  	[spmem:s1] =	stream.indirect.scatter.add.f32 [tilespmem:s17], [sflag:$0x2], $0x80, s21, s16, $0xb8;
	[tilespmem:$0x1D920] =	vst v63  }
0x4b: {  	_ =	swait.ge [sflag:s14], $0x1400  }
0x4c: {  	s21 =	smov.u32 s23;
	[sflag:s14] =	ssyncset.done $0x0  }
0x4d: {  	s20 =	sshra.s32 s20, $0x2;
	[sflag:s14] =	ssyncadd.s32 $0xFFFFEC00  }
0x4e: {  	[tilespmem:s17], [sflag:$0x1] =	stream.indirect.gather [hbm4b:s3+s16], $0x80, s20, s16, $0xb8;
	[tilespmem:$0x1D920] =	vst v63  }
0x4f: {  	_ =	swait.ge [sflag:s18], $0x1400  }
0x50: {  	[sflag:s18] =	ssyncset.done $0x0  }
0x51: {  	s20 =	sadd.s32 $0x2710, s20;
	[sflag:s18] =	ssyncadd.s32 $0xFFFFEC00  }
0x52: {  	[spmem:s1] =	stream.indirect.scatter.add.f32 [tilespmem:s17], [sflag:$0x2], $0x80, s20, s16, $0xb8;
	[tilespmem:$0x1D920] =	vst v63  }
0x53: {  	_ =	swait.ge [sflag:s14], $0x1400  }
0x54: {  	[sflag:s14] =	ssyncset.done $0x0  }
0x55: {  	s2 =	sadd.s32 $0x1, s2;
	[sflag:s14] =	ssyncadd.s32 $0xFFFFEC00  }
0x56: {  	p1 =	sne.s32 s2, s12;
	s20 =	simm.s32 @!p0 $0x1C02;
	[bflag:$0x0] =	sbarrier.arrive $0xFFFF  }
0x57: {  	[hbm:s11], [sflag:s20] =	dma.local @!p0 [spmem:s19], $0x27100  }
.Ltmp2:
0x58: {  	_ = 	snop;
	(pc) =	sbr.rel @p1 .LBB2_1-.Ltmp2, $4  }
0x59: {  	s20 =	simm.s32 @!p0 $0x2  }
0x5a: {  	_ =	swait.ge @!p0 [sflag:s20], $0x27100  }
0x5b: {  	[sflag:s20] =	ssyncset.done @!p0 $0x0  }
0x5c: {  	[sflag:s20] =	ssyncadd.s32 @!p0 $0xFFFD8F00  }
0x5d: {  	_ =	sfence.sel $0x180000  }
0x5e: {  	[bflag:$0x0] =	sbarrier.arrive $0xFFFF  }
0x5f: {  	_ =	strace $0x9000004A  }
0x60: {  	s0 =	sadd.s32 @!p0 $0x100000, s0;
	[bflag:$0x2] =	sbarrier.arrive $0xFFFF  }
0x61: {  	[sflag:s0] =	ssyncadd.tile.s32 @!p0 $0x1;
	_ =	shalt  }
.Lfunc_end2:
_tile_overlayer_lowered:
.L_overlay_start_2:
0x62: {  	(tag) =	ssettag $0x2  }
0x63: {  	s0 =	rddreg [dreg:$0x0];
	s2 =	stileid.u32  }
0x64: {  	s1 =	rddreg [dreg:$0x1];
	p0 =	sne.s32 s2, $0x0  }
0x65: {  	s3 =	rddreg [dreg:$0x2];
	[bflag:$0x3] =	sbarrier.arrive $0xFFFF;
	s2 =	simm.s32 @!p0 $0x1C02  }
0x66: {  	[timem:s3], [sflag:s2] =	dma.local @!p0 [hbm:s0], s1  }
0x67: {  	s0 =	simm.s32 @!p0 $0x2  }
0x68: {  	_ =	swait.ge @!p0 [sflag:s0], s1  }
0x69: {  	s1 =	ssub.s32 @!p0 $0x0, s1;
	[sflag:s0] =	ssyncset.done @!p0 $0x0  }
0x6a: {  	[sflag:s0] =	ssyncadd.s32 @!p0 s1  }
0x6b: {  	[bflag:$0x3] =	sbarrier.arrive $0xFFFF  }
0x6c: {  	_ =	shalt  }

// kernel: kernel.14.cloned.1.call-start
scs
__scs_entry_jumppad:
0x0: {  	(pc) =	sbr.rel $0x88, $3  }
0x1: {  	(tag) =	ssettag $0x0;
	lr =	simm.s32 $0x1  }
0x2: {  	[smem:$0x3F99] =	sst lr;
	_ =	strace $0xD0000000  }
0x3: {  	_ = 	snop  }
0x4: {  	_ = 	snop  }
0x5: {  	_ = 	snop  }
0x6: {  	_ = 	snop  }
0x7: {  	_ = 	snop  }
__scs_overlays_trampoline_lowered:
0x8: {  	[smem:$0x3FA8] =	sst s0  }
0x9: {  	[smem:$0x3FA9] =	sst s1  }
0xa: {  	[smem:$0x3FAA] =	sst s2  }
0xb: {  	[smem:$0x3FAB] =	sst s3  }
0xc: {  	[smem:$0x3FAC] =	sst s4  }
0xd: {  	[smem:$0x3FAD] =	sst s5  }
0xe: {  	[smem:$0x3FAE] =	sst s6  }
0xf: {  	[smem:$0x3FAF] =	sst s7  }
0x10: {  	[smem:$0x3FB0] =	sst s8  }
0x11: {  	[smem:$0x3FB1] =	sst s9;
	s0 =	simm.s32 @!p0 $0x0  }
0x12: {  	s1 =	sld [smem:$0x3F97];
	s0 =	simm.s32 @p0 $0x1  }
0x13: {  	[smem:$0x3FB2] =	sst s0;
	s0 =	simm.s32 @!p1 $0x0  }
0x14: {  	s2 =	sld [smem:$0x3F96];
	s0 =	simm.s32 @p1 $0x1  }
0x15: {  	[smem:$0x3FB3] =	sst s0;
	s0 =	simm.s32 @!p2 $0x0  }
0x16: {  	s3 =	sld [smem:$0x3FDB];
	s0 =	simm.s32 @p2 $0x1  }
0x17: {  	s4 =	simm.s32 $0x1BF5;
	[smem:$0x3FB5] =	sst s0  }
0x18: {  	s0 =	sld [smem:$0x3F98];
	_ =	swait.ge [sflag:s4], $0x0  }
0x19: {  	s7 =	sld [smem:$0x3F99]  }
0x1a: {  	s8 =	sadd.s32 $0xFFFFE003, lr  }
0x1b: {  	s9 =	sadd.s32 $0xFFFFFEF7, lr;
	s5 =	simm.s32 $0xFFFFFFFF;
	p2 =	slt.u32 s8, $0xFFFFF086  }
0x1c: {  	p1 =	slt.u32 s9, $0xF7A;
	s5 =	simm.s32 @!p2 $0x0  }
0x1d: {  	s5 =	simm.s32 @p1 $0x1;
	p0 =	seq.s32 s7, s2  }
0x1e: {  	s7 =	smul.u32 @!p0 $0xF7A, s2;
	p2 =	seq.s32 @!p0 s5, $0x0  }
0x1f: {  	s9 =	smul.u32 $0xF7A, s1;
	s8 =	simm.s32 @!p0 $0x1BF5;
	p2 =	por !p2, p0  }
0x20: {  	[sflag:s8] =	ssyncset.s32 @!p0 $0xFFFFF086;
	s6 =	sadd.s32 @!p0 s3, s7;
	s7 =	simm.s32 @!p0 $0x108  }
0x21: {  	s3 =	sadd.s32 s3, s9;
	s6 =	sadd.s32 @!p0 $0x88, s6;
	s7 =	simm.s32 @p2 $0x1082  }
0x22: {  	[simem:s7], [sflag:s8] =	dma.local @!p0 [hbm:s6], $0xF7A  }
0x23: {  	s9 =	sor.u32 $0xD0000000, s2;
	s6 =	simm.s32 $0x108;
	_ =	swait.ge @!p0 [sflag:s8], $0x0  }
0x24: {  	s3 =	sadd.s32 $0x88, s3;
	s6 =	simm.s32 @!p1 $0x1082;
	[sflag:s4] =	ssyncset.s32 $0xFFFFF086  }
0x25: {  	[simem:s6], [sflag:s4] =	dma.local [hbm:s3], $0xF7A  }
0x26: {  	[smem:$0x3F99] =	sst s1;
	(tag) =	ssettag s2;
	_ =	strace s9  }
0x27: {  	s1 =	sld [smem:$0x3FA9]  }
0x28: {  	s2 =	sld [smem:$0x3FAA]  }
0x29: {  	s4 =	sld [smem:$0x3FAC]  }
0x2a: {  	p0 =	seq.s32 s5, $0x0;
	s5 =	sld [smem:$0x3FAD]  }
0x2b: {  	s6 =	sld [smem:$0x3FAE]  }
0x2c: {  	s7 =	sld [smem:$0x3FAF]  }
0x2d: {  	s3 =	simm.s32 $0x108;
	s8 =	sld [smem:$0x3FB0]  }
0x2e: {  	s3 =	simm.s32 @!p0 $0x1082;
	s9 =	sld [smem:$0x3FB1]  }
0x2f: {  	lr =	sadd.s32 s0, s3;
	s0 =	sld [smem:$0x3FA8]  }
0x30: {  	s3 =	sld [smem:$0x3FAB]  }
0x31: {  	[smem:$0x3FB4] =	sst s10  }
0x32: {  	s10 =	sld [smem:$0x3FB2];
	_ =	sdelay $0x3  }
0x33: {  	p0 =	seq.s32 s10, $0x1;
	s10 =	sld [smem:$0x3FB4];
	_ =	sdelay $0x3  }
0x34: {  	[smem:$0x3FB4] =	sst s10  }
0x35: {  	s10 =	sld [smem:$0x3FB3];
	_ =	sdelay $0x3  }
0x36: {  	p1 =	seq.s32 s10, $0x1;
	s10 =	sld [smem:$0x3FB4];
	_ =	sdelay $0x3  }
0x37: {  	[smem:$0x3FB4] =	sst s10  }
0x38: {  	s10 =	sld [smem:$0x3FB5]  }
0x39: {  	_ = 	snop;
	(pc) =	sbr.ind lr, $3  }
0x3a: {  	_ = 	snop  }
0x3b: {  	_ = 	snop  }
0x3c: {  	p2 =	seq.s32 s10, $0x1;
	s10 =	sld [smem:$0x3FB4]  }
0x3d: {  	_ =	shalt  }
0x3e: {  	_ =	shalt  }
0x3f: {  	_ =	shalt  }
0x40: {  	_ =	shalt  }
0x41: {  	_ =	shalt  }
0x42: {  	_ =	shalt  }
0x43: {  	_ =	shalt  }
0x44: {  	_ =	shalt  }
0x45: {  	_ =	shalt  }
0x46: {  	_ =	shalt  }
0x47: {  	_ =	shalt  }
0x48: {  	_ =	shalt  }
0x49: {  	_ =	shalt  }
0x4a: {  	_ =	shalt  }
0x4b: {  	_ =	shalt  }
0x4c: {  	_ =	shalt  }
0x4d: {  	_ =	shalt  }
0x4e: {  	_ =	shalt  }
0x4f: {  	_ =	shalt  }
0x50: {  	_ =	shalt  }
0x51: {  	_ =	shalt  }
0x52: {  	_ =	shalt  }
0x53: {  	_ =	shalt  }
0x54: {  	_ =	shalt  }
0x55: {  	_ =	shalt  }
0x56: {  	_ =	shalt  }
0x57: {  	_ =	shalt  }
0x58: {  	_ =	shalt  }
0x59: {  	_ =	shalt  }
0x5a: {  	_ =	shalt  }
0x5b: {  	_ =	shalt  }
0x5c: {  	_ =	shalt  }
0x5d: {  	_ =	shalt  }
0x5e: {  	_ =	shalt  }
0x5f: {  	_ =	shalt  }
0x60: {  	_ =	shalt  }
0x61: {  	_ =	shalt  }
0x62: {  	_ =	shalt  }
0x63: {  	_ =	shalt  }
0x64: {  	_ =	shalt  }
0x65: {  	_ =	shalt  }
0x66: {  	_ =	shalt  }
0x67: {  	_ =	shalt  }
0x68: {  	_ =	shalt  }
0x69: {  	_ =	shalt  }
0x6a: {  	_ =	shalt  }
0x6b: {  	_ =	shalt  }
0x6c: {  	_ =	shalt  }
0x6d: {  	_ =	shalt  }
0x6e: {  	_ =	shalt  }
0x6f: {  	_ =	shalt  }
0x70: {  	_ =	shalt  }
0x71: {  	_ =	shalt  }
0x72: {  	_ =	shalt  }
0x73: {  	_ =	shalt  }
0x74: {  	_ =	shalt  }
0x75: {  	_ =	shalt  }
0x76: {  	_ =	shalt  }
0x77: {  	_ =	shalt  }
0x78: {  	_ =	shalt  }
0x79: {  	_ =	shalt  }
0x7a: {  	_ =	shalt  }
0x7b: {  	_ =	shalt  }
0x7c: {  	_ =	shalt  }
0x7d: {  	_ =	shalt  }
0x7e: {  	_ =	shalt  }
0x7f: {  	_ =	shalt  }
0x80: {  	_ =	shalt  }
0x81: {  	_ =	shalt  }
0x82: {  	_ =	shalt  }
0x83: {  	_ =	shalt  }
0x84: {  	_ =	shalt  }
0x85: {  	_ =	shalt  }
0x86: {  	_ =	shalt  }
0x87: {  	_ =	shalt  }
.Lfunc_end0:
.L_simem_size_0:
called_computation.2_lowered:
.L_overlay_start_0:
0x88: {  	s2 =	sld [smem:$0x3FD9]  }
0x89: {  	s3 =	sld [smem:$0x3FFE];
	_ =	sdelay $0x1  }
0x8a: {  	s1 =	srdreg.scid  }
0x8b: {  	s0 =	sand.u32 $0x1, s1  }
0x8c: {  	s16 =	sshll.u32 s0, $0xA;
	s2 =	sadd.s32 s3, s2  }
0x8d: {  	s2 =	sadd.s32 s2, s16  }
0x8e: {  	[smem:$0x3FC0] =	sst s2  }
0x8f: {  	_ = 	snop  }
0x90: {  	(tm) =	ssettm $0x1  }
0x91: {  	s17 =	sld [smem:$0x3FFB];
	_ =	sdelay $0x3  }
0x92: {  	_ =	strace s17  }
0x93: {  	s2 =	sld [smem:$0x3FFC];
	_ =	sdelay $0x3  }
0x94: {  	_ =	strace s2  }
0x95: {  	s2 =	sld [smem:$0x3FFD];
	_ =	sdelay $0x3  }
0x96: {  	_ =	strace s2  }
0x97: {  	_ =	strace $0x8FFFFFFF  }
0x98: {  	s18 =	sld [smem:$0x3FDB];
	_ =	sdelay $0x1  }
0x99: {  	s19 =	simm.s32 $_scs_section_size  }
0x9a: {  	s4 =	simm.s32 $_size__tile_overlayer_lowered;
	s5 =	simm.s32 $_tile_overlayer_lowered  }
0x9b: {  	s22 =	simm.s32 $0x1BFF;
	s21 =	sshll.u32 s5, $0x1;
	s2 =	sadd.s32 s19, s18  }
0x9c: {  	s6 =	simm.s32 $0x0;
	s20 =	sshll.u32 s4, $0x1;
	s4 =	sadd.s32 s21, s2  }
0x9d: {  	[timem:s6], [sflag:s22] =	dma.local [hbm:s4], s20  }
0x9e: {  	_ =	swait.ge [sflag:s22], s20  }
0x9f: {  	s3 =	ssub.s32 $0x0, s20;
	[sflag:s22] =	ssyncset.done $0x0  }
0xa0: {  	[sflag:s22] =	ssyncadd.s32 s3;
	_ =	sdelay $0x1  }
0xa1: {  	s23 =	simm.s32 $0x1B8B  }
0xa2: {  	_ =	swait.ge [sflag:s23], $0x1  }
0xa3: {  	[sflag:s23] =	ssyncset.done $0x0  }
0xa4: {  	s25 =	simm.s32 $0x1B8E;
	s24 =	sld [smem:$0x3FFE];
	[sflag:s23] =	ssyncadd.s32 $0xFFFFFFFF  }
0xa5: {  	s26 =	simm.s32 $execute0_lowered;
	[smem:$0x3FD2] =	sst s25  }
0xa6: {  	s4 =	sshll.u32 s26, $0x1;
	_ =	strace $0x8000004C;
	[dreg:$0x1] =	wrdreg $0xFFFFFFFF  }
0xa7: {  	s28 =	simm.s32 $_size_execute0_lowered;
	s2 =	sadd.s32 s2, s4;
	[dreg:$0x0] =	wrdreg $0x0  }
0xa8: {  	s4 =	sshll.u32 s28, $0x1;
	[dreg:$0x2] =	wrdreg s2  }
0xa9: {  	[dreg:$0x3] =	wrdreg s4  }
0xaa: {  	[dreg:$0x4] =	wrdreg $0xC0  }
0xab: {  	_ =	task [dreg:s6], $0x5FFFF  }
0xac: {  	[dreg:$0x1] =	wrdreg $0xFFFFFFFF  }
0xad: {  	[dreg:$0x0] =	wrdreg $0x60  }
0xae: {  	[dreg:$0x2] =	wrdreg s24  }
0xaf: {  	[dreg:$0x3] =	wrdreg $0xA0A00  }
0xb0: {  	[dreg:$0x4] =	wrdreg $0x9  }
0xb1: {  	_ =	task.clear_ibuf [dreg:s6], $0x5FFFF;
	_ =	strace $0x9000004C  }
0xb2: {  	s29 =	simm.s32 $0x9;
	_ =	strace $0x8000004E  }
0xb3: {  	_ =	swait.ge [sflag:s29], $0x1  }
0xb4: {  	[sflag:s29] =	ssyncadd.s32 $0xFFFFFFFF  }
0xb5: {  	_ =	strace $0x9000004E  }
0xb6: {  	_ =	sfence  }
0xb7: {  	s30 =	sld [smem:$0x0];
	_ =	sdelay $0x2  }
0xb8: {  	s31 =	sshll.u32 s1, $0xD;
	s1 =	sshrl.u32 s1, $0x2  }
0xb9: {  	s3 =	sand.u32 $0x4000, s31;
	s1 =	sadd.s32 s1, s30  }
0xba: {  	s0 =	sor.u32 s3, s0;
	s1 =	sshll.u32 s1, $0x11  }
0xbb: {  	s0 =	sor.u32 s1, s0  }
0xbc: {  	s0 =	sadd.s32 $0x8F2B, s0  }
0xbd: {  	[sflag:s0] =	ssyncadd.remote.s32 $0x1  }
0xbe: {  	_ =	sfence.sel $0xFFFF  }
0xbf: {  	[dreg:$0x0] =	wrdreg $0xFFFFFFFF;
	(pc) =	sbr.abs _section_cstart, $3  }
0xc0: {  	[dreg:$0x1] =	wrdreg $0xFFFFFFFF  }
0xc1: {  	_ =	task.clear_ibuf [dreg:s6], $0x2FFFF;
	_ =	strace $0x9FFFFFFF  }
0xc2: {  	(tm) =	ssettm $0x7FFFFFFF  }
0xc3: {  	_ =	shalt  }
tec
execute0_lowered:
.L_overlay_start_1:
0x0: {  	(tag) =	ssettag $0x1  }
0x1: {  	s5 =	rddreg [dreg:$0x0]  }
0x2: {  	s1 =	rddreg [dreg:$0x1];
	s2 =	srdreg.scid  }
0x3: {  	s0 =	rddreg [dreg:$0x2];
	s17 =	stileid.u32  }
0x4: {  	s13 =	simm.s32 $0x6220;
	s14 =	simm.s32 $0x2;
	s15 =	simm.s32 $0x2710  }
0x5: {  	s16 =	simm.s32 $0x28;
	s18 =	simm.s32 $0x1;
	s4 =	sand.u32 $0x1, s2  }
0x6: {  	s2 =	simm.s32 $0x0;
	s7 =	smul.u32 $0x4E200, s17;
	p0 =	sne.s32 s17, $0x0  }
0x7: {  	s3 =	sshll.u32 s4, $0x4;
	[smem:$0x7FF] =	sst s2;
	s8 =	smul.u32 $0x27100, s4  }
0x8: {  	s9 =	ssub.s32 $0x2, s4;
	s19 =	sshrl.u32 @!p0 s1, $0x3;
	s6 =	sor.u32 s17, s3  }
0x9: {  	_ =	strace $0x8000004D;
	s3 =	sadd.s32 $0x16000, s5;
	s30 =	sshrl.u32 s7, $0x2  }
0xa: {  	s31 =	sshrl.u32 s9, $0x1;
	s17 =	simm.s32 $0x4E20;
	s6 =	smul.u32 $0x4E2, s6  }
0xb: {  	s4 =	sadd.s32 s30, s1;
	s11 =	sadd.s32 s8, s5;
	s12 =	ssub.s32 s9, s31  }
0xc: {  	s7 =	sadd.s32 $0xBB80, s4;
	s8 =	sadd.s32 $0xFA00, s4;
	s11 =	sadd.s32 $0x3D200, s11  }
0xd: {  	s12 =	smax.u32 s12, $0x1;
	s10 =	sadd.s32 s6, s5;
	s5 =	sadd.s32 $0x3E80, s4  }
0xe: {  	v0 =	vimm.f32 $0.0e+00;
	s6 =	sadd.s32 $0x7D00, s4;
	s9 =	sadd.s32 $0xC200, s10;
	s10 =	sadd.s32 $0x2400, s10  }
.LBB2_1:
0xf: {  	s20 =	simm.s32 $0x0;
	s21 =	simm.s32 $0x200  }
.LBB2_2:
0x10: {  	p1 =	sne.s32 s21, $0xF800;
	[tilespmem:s20+$0x6290] =	vst v0  }
0x11: {  	[tilespmem:s20+$0x6220] =	vst v0  }
0x12: {  	[tilespmem:s20+$0x6230] =	vst v0  }
.Ltmp0:
0x13: {  	[tilespmem:s20+$0x6240] =	vst v0;
	(pc) =	sbr.rel @p1 .LBB2_2-.Ltmp0, $4  }
0x14: {  	[tilespmem:s20+$0x6250] =	vst v0  }
0x15: {  	[tilespmem:s20+$0x6260] =	vst v0  }
0x16: {  	[tilespmem:s20+$0x6270] =	vst v0  }
0x17: {  	[tilespmem:s20+$0x6280] =	vst v0;
	s20 =	sshra.s32 s21, $0x2;
	s21 =	sadd.s32 $0x200, s21  }
0x18: {  	[tilespmem:s20+$0x6290] =	vst v0  }
0x19: {  	[tilespmem:s20+$0x6220] =	vst v0  }
0x1a: {  	[tilespmem:s20+$0x6230] =	vst v0  }
0x1b: {  	[tilespmem:s20+$0x6240] =	vst v0  }
0x1c: {  	[tilespmem:s20+$0x6250] =	vst v0  }
0x1d: {  	[tilespmem:s20+$0x6260] =	vst v0  }
0x1e: {  	[tilespmem:s20+$0x6270] =	vst v0  }
0x1f: {  	[tilespmem:s20+$0x6280] =	vst v0  }
0x20: {  	[spmem:s4] =	stream.linear.scatter [tilespmem:s13], [sflag:$0x2], $0x3E80, $0x38;
	[tilespmem:$0x1D920] =	vst v63  }
0x21: {  	_ =	swait.ge [sflag:s14], $0x3E80  }
0x22: {  	[sflag:s14] =	ssyncset.done $0x0  }
0x23: {  	[sflag:s14] =	ssyncadd.s32 $0xFFFFC180  }
0x24: {  	[spmem:s5] =	stream.linear.scatter [tilespmem:s13], [sflag:$0x2], $0x3E80, $0x38;
	[tilespmem:$0x1D920] =	vst v63  }
0x25: {  	_ =	swait.ge [sflag:s14], $0x3E80  }
0x26: {  	[sflag:s14] =	ssyncset.done $0x0  }
0x27: {  	[sflag:s14] =	ssyncadd.s32 $0xFFFFC180  }
0x28: {  	[spmem:s6] =	stream.linear.scatter [tilespmem:s13], [sflag:$0x2], $0x3E80, $0x38;
	[tilespmem:$0x1D920] =	vst v63  }
0x29: {  	_ =	swait.ge [sflag:s14], $0x3E80  }
0x2a: {  	[sflag:s14] =	ssyncset.done $0x0  }
0x2b: {  	[sflag:s14] =	ssyncadd.s32 $0xFFFFC180  }
0x2c: {  	[spmem:s7] =	stream.linear.scatter [tilespmem:s13], [sflag:$0x2], $0x3E80, $0x38;
	[tilespmem:$0x1D920] =	vst v63  }
0x2d: {  	_ =	swait.ge [sflag:s14], $0x3E80  }
0x2e: {  	[sflag:s14] =	ssyncset.done $0x0  }
0x2f: {  	[sflag:s14] =	ssyncadd.s32 $0xFFFFC180  }
0x30: {  	[spmem:s8] =	stream.linear.scatter [tilespmem:s13], [sflag:$0x2], $0x3E80, $0x38;
	[tilespmem:$0x1D920] =	vst v63  }
0x31: {  	_ =	swait.ge [sflag:s14], $0x3E80  }
0x32: {  	[sflag:s14] =	ssyncset.done $0x0  }
0x33: {  	s29 =	simm.s32 $0x0;
	[sflag:s14] =	ssyncadd.s32 $0xFFFFC180  }
0x34: {  	[tilespmem:s29], [sflag:$0x2] =	stream.linear.gather [hbm4b:s9+s29], $0x2710, $0x38;
	[tilespmem:$0x1D920] =	vst v63  }
0x35: {  	_ =	swait.ge [sflag:s14], $0x2710  }
0x36: {  	[sflag:s14] =	ssyncset.done $0x0  }
0x37: {  	[sflag:s14] =	ssyncadd.s32 $0xFFFFD8F0  }
0x38: {  	[tilespmem:s15], [sflag:$0x2] =	stream.linear.gather [hbm4b:s10+s29], $0x2710, $0x38;
	[tilespmem:$0x1D920] =	vst v63  }
0x39: {  	_ =	swait.ge [sflag:s14], $0x2710  }
0x3a: {  	[sflag:s14] =	ssyncset.done $0x0  }
0x3b: {  	[sflag:s14] =	ssyncadd.s32 $0xFFFFD8F0  }
0x3c: {  	s30 =	simm.s32 $0x0;
	[bflag:$0x0] =	sbarrier.arrive $0xFFFF  }
0x3d: {  	[tilespmem:s17], [sflag:$0x1] =	stream.indirect.gather [hbm4b:s3+s16], $0x80, s30, s16, $0xb8;
	[tilespmem:$0x1D920] =	vst v63  }
0x3e: {  	_ =	swait.ge [sflag:s18], $0x1400  }
0x3f: {  	[sflag:s18] =	ssyncset.done $0x0  }
0x40: {  	s31 =	simm.s32 $0x2710;
	[sflag:s18] =	ssyncadd.s32 $0xFFFFEC00  }
0x41: {  	[spmem:s1] =	stream.indirect.scatter.add.f32 [tilespmem:s17], [sflag:$0x2], $0x80, s31, s16, $0xb8;
	[tilespmem:$0x1D920] =	vst v63  }
0x42: {  	_ =	swait.ge [sflag:s14], $0x1400  }
0x43: {  	s20 =	simm.s32 $0xA0;
	s21 =	simm.s32 $0x140;
	[sflag:s14] =	ssyncset.done $0x0  }
.LBB2_4:
0x44: {  	s22 =	sshra.s32 s20, $0x2  }
0x45: {  	[sflag:s14] =	ssyncadd.s32 $0xFFFFEC00;
	s20 =	smov.u32 s21;
	s23 =	sadd.s32 $0xA0, s21  }
0x46: {  	[tilespmem:s17], [sflag:$0x1] =	stream.indirect.gather [hbm4b:s3+s16], $0x80, s22, s16, $0xb8;
	[tilespmem:$0x1D920] =	vst v63  }
0x47: {  	p1 =	sne.s32 s21, $0x9BA0;
	_ =	swait.ge [sflag:s18], $0x1400  }
.Ltmp1:
0x48: {  	[sflag:s18] =	ssyncset.done $0x0;
	(pc) =	sbr.rel @p1 .LBB2_4-.Ltmp1, $4  }
0x49: {  	s21 =	sadd.s32 $0x2710, s22;
	[sflag:s18] =	ssyncadd.s32 $0xFFFFEC00  }
0x4a: {  	[spmem:s1] =	stream.indirect.scatter.add.f32 [tilespmem:s17], [sflag:$0x2], $0x80, s21, s16, $0xb8;
	[tilespmem:$0x1D920] =	vst v63  }
0x4b: {  	_ =	swait.ge [sflag:s14], $0x1400  }
0x4c: {  	s21 =	smov.u32 s23;
	[sflag:s14] =	ssyncset.done $0x0  }
0x4d: {  	s20 =	sshra.s32 s20, $0x2;
	[sflag:s14] =	ssyncadd.s32 $0xFFFFEC00  }
0x4e: {  	[tilespmem:s17], [sflag:$0x1] =	stream.indirect.gather [hbm4b:s3+s16], $0x80, s20, s16, $0xb8;
	[tilespmem:$0x1D920] =	vst v63  }
0x4f: {  	_ =	swait.ge [sflag:s18], $0x1400  }
0x50: {  	[sflag:s18] =	ssyncset.done $0x0  }
0x51: {  	s20 =	sadd.s32 $0x2710, s20;
	[sflag:s18] =	ssyncadd.s32 $0xFFFFEC00  }
0x52: {  	[spmem:s1] =	stream.indirect.scatter.add.f32 [tilespmem:s17], [sflag:$0x2], $0x80, s20, s16, $0xb8;
	[tilespmem:$0x1D920] =	vst v63  }
0x53: {  	_ =	swait.ge [sflag:s14], $0x1400  }
0x54: {  	[sflag:s14] =	ssyncset.done $0x0  }
0x55: {  	s2 =	sadd.s32 $0x1, s2;
	[sflag:s14] =	ssyncadd.s32 $0xFFFFEC00  }
0x56: {  	p1 =	sne.s32 s2, s12;
	s20 =	simm.s32 @!p0 $0x1C02;
	[bflag:$0x0] =	sbarrier.arrive $0xFFFF  }
0x57: {  	[hbm:s11], [sflag:s20] =	dma.local @!p0 [spmem:s19], $0x27100  }
.Ltmp2:
0x58: {  	_ = 	snop;
	(pc) =	sbr.rel @p1 .LBB2_1-.Ltmp2, $4  }
0x59: {  	s20 =	simm.s32 @!p0 $0x2  }
0x5a: {  	_ =	swait.ge @!p0 [sflag:s20], $0x27100  }
0x5b: {  	[sflag:s20] =	ssyncset.done @!p0 $0x0  }
0x5c: {  	[sflag:s20] =	ssyncadd.s32 @!p0 $0xFFFD8F00  }
0x5d: {  	_ =	sfence.sel $0x180000  }
0x5e: {  	[bflag:$0x0] =	sbarrier.arrive $0xFFFF  }
0x5f: {  	_ =	strace $0x9000004D  }
0x60: {  	s0 =	sadd.s32 @!p0 $0x100000, s0;
	[bflag:$0x2] =	sbarrier.arrive $0xFFFF  }
0x61: {  	[sflag:s0] =	ssyncadd.tile.s32 @!p0 $0x1;
	_ =	shalt  }
.Lfunc_end2:
_tile_overlayer_lowered:
.L_overlay_start_2:
0x62: {  	(tag) =	ssettag $0x2  }
0x63: {  	s0 =	rddreg [dreg:$0x0];
	s2 =	stileid.u32  }
0x64: {  	s1 =	rddreg [dreg:$0x1];
	p0 =	sne.s32 s2, $0x0  }
0x65: {  	s3 =	rddreg [dreg:$0x2];
	[bflag:$0x3] =	sbarrier.arrive $0xFFFF;
	s2 =	simm.s32 @!p0 $0x1C02  }
0x66: {  	[timem:s3], [sflag:s2] =	dma.local @!p0 [hbm:s0], s1  }
0x67: {  	s0 =	simm.s32 @!p0 $0x2  }
0x68: {  	_ =	swait.ge @!p0 [sflag:s0], s1  }
0x69: {  	s1 =	ssub.s32 @!p0 $0x0, s1;
	[sflag:s0] =	ssyncset.done @!p0 $0x0  }
0x6a: {  	[sflag:s0] =	ssyncadd.s32 @!p0 s1  }
0x6b: {  	[bflag:$0x3] =	sbarrier.arrive $0xFFFF  }
0x6c: {  	_ =	shalt  }

// kernel: kernel.8.cloned.1.call-start
scs
__scs_entry_jumppad:
0x0: {  	(pc) =	sbr.rel $0x88, $3  }
0x1: {  	(tag) =	ssettag $0x0;
	lr =	simm.s32 $0x1  }
0x2: {  	[smem:$0x3F99] =	sst lr;
	_ =	strace $0xD0000000  }
0x3: {  	_ = 	snop  }
0x4: {  	_ = 	snop  }
0x5: {  	_ = 	snop  }
0x6: {  	_ = 	snop  }
0x7: {  	_ = 	snop  }
__scs_overlays_trampoline_lowered:
0x8: {  	[smem:$0x3FA8] =	sst s0  }
0x9: {  	[smem:$0x3FA9] =	sst s1  }
0xa: {  	[smem:$0x3FAA] =	sst s2  }
0xb: {  	[smem:$0x3FAB] =	sst s3  }
0xc: {  	[smem:$0x3FAC] =	sst s4  }
0xd: {  	[smem:$0x3FAD] =	sst s5  }
0xe: {  	[smem:$0x3FAE] =	sst s6  }
0xf: {  	[smem:$0x3FAF] =	sst s7  }
0x10: {  	[smem:$0x3FB0] =	sst s8  }
0x11: {  	[smem:$0x3FB1] =	sst s9;
	s0 =	simm.s32 @!p0 $0x0  }
0x12: {  	s1 =	sld [smem:$0x3F97];
	s0 =	simm.s32 @p0 $0x1  }
0x13: {  	[smem:$0x3FB2] =	sst s0;
	s0 =	simm.s32 @!p1 $0x0  }
0x14: {  	s2 =	sld [smem:$0x3F96];
	s0 =	simm.s32 @p1 $0x1  }
0x15: {  	[smem:$0x3FB3] =	sst s0;
	s0 =	simm.s32 @!p2 $0x0  }
0x16: {  	s3 =	sld [smem:$0x3FDB];
	s0 =	simm.s32 @p2 $0x1  }
0x17: {  	s4 =	simm.s32 $0x1BF5;
	[smem:$0x3FB5] =	sst s0  }
0x18: {  	s0 =	sld [smem:$0x3F98];
	_ =	swait.ge [sflag:s4], $0x0  }
0x19: {  	s7 =	sld [smem:$0x3F99]  }
0x1a: {  	s8 =	sadd.s32 $0xFFFFE003, lr  }
0x1b: {  	s9 =	sadd.s32 $0xFFFFFEF7, lr;
	s5 =	simm.s32 $0xFFFFFFFF;
	p2 =	slt.u32 s8, $0xFFFFF086  }
0x1c: {  	p1 =	slt.u32 s9, $0xF7A;
	s5 =	simm.s32 @!p2 $0x0  }
0x1d: {  	s5 =	simm.s32 @p1 $0x1;
	p0 =	seq.s32 s7, s2  }
0x1e: {  	s7 =	smul.u32 @!p0 $0xF7A, s2;
	p2 =	seq.s32 @!p0 s5, $0x0  }
0x1f: {  	s9 =	smul.u32 $0xF7A, s1;
	s8 =	simm.s32 @!p0 $0x1BF5;
	p2 =	por !p2, p0  }
0x20: {  	[sflag:s8] =	ssyncset.s32 @!p0 $0xFFFFF086;
	s6 =	sadd.s32 @!p0 s3, s7;
	s7 =	simm.s32 @!p0 $0x108  }
0x21: {  	s3 =	sadd.s32 s3, s9;
	s6 =	sadd.s32 @!p0 $0x88, s6;
	s7 =	simm.s32 @p2 $0x1082  }
0x22: {  	[simem:s7], [sflag:s8] =	dma.local @!p0 [hbm:s6], $0xF7A  }
0x23: {  	s9 =	sor.u32 $0xD0000000, s2;
	s6 =	simm.s32 $0x108;
	_ =	swait.ge @!p0 [sflag:s8], $0x0  }
0x24: {  	s3 =	sadd.s32 $0x88, s3;
	s6 =	simm.s32 @!p1 $0x1082;
	[sflag:s4] =	ssyncset.s32 $0xFFFFF086  }
0x25: {  	[simem:s6], [sflag:s4] =	dma.local [hbm:s3], $0xF7A  }
0x26: {  	[smem:$0x3F99] =	sst s1;
	(tag) =	ssettag s2;
	_ =	strace s9  }
0x27: {  	s1 =	sld [smem:$0x3FA9]  }
0x28: {  	s2 =	sld [smem:$0x3FAA]  }
0x29: {  	s4 =	sld [smem:$0x3FAC]  }
0x2a: {  	p0 =	seq.s32 s5, $0x0;
	s5 =	sld [smem:$0x3FAD]  }
0x2b: {  	s6 =	sld [smem:$0x3FAE]  }
0x2c: {  	s7 =	sld [smem:$0x3FAF]  }
0x2d: {  	s3 =	simm.s32 $0x108;
	s8 =	sld [smem:$0x3FB0]  }
0x2e: {  	s3 =	simm.s32 @!p0 $0x1082;
	s9 =	sld [smem:$0x3FB1]  }
0x2f: {  	lr =	sadd.s32 s0, s3;
	s0 =	sld [smem:$0x3FA8]  }
0x30: {  	s3 =	sld [smem:$0x3FAB]  }
0x31: {  	[smem:$0x3FB4] =	sst s10  }
0x32: {  	s10 =	sld [smem:$0x3FB2];
	_ =	sdelay $0x3  }
0x33: {  	p0 =	seq.s32 s10, $0x1;
	s10 =	sld [smem:$0x3FB4];
	_ =	sdelay $0x3  }
0x34: {  	[smem:$0x3FB4] =	sst s10  }
0x35: {  	s10 =	sld [smem:$0x3FB3];
	_ =	sdelay $0x3  }
0x36: {  	p1 =	seq.s32 s10, $0x1;
	s10 =	sld [smem:$0x3FB4];
	_ =	sdelay $0x3  }
0x37: {  	[smem:$0x3FB4] =	sst s10  }
0x38: {  	s10 =	sld [smem:$0x3FB5]  }
0x39: {  	_ = 	snop;
	(pc) =	sbr.ind lr, $3  }
0x3a: {  	_ = 	snop  }
0x3b: {  	_ = 	snop  }
0x3c: {  	p2 =	seq.s32 s10, $0x1;
	s10 =	sld [smem:$0x3FB4]  }
0x3d: {  	_ =	shalt  }
0x3e: {  	_ =	shalt  }
0x3f: {  	_ =	shalt  }
0x40: {  	_ =	shalt  }
0x41: {  	_ =	shalt  }
0x42: {  	_ =	shalt  }
0x43: {  	_ =	shalt  }
0x44: {  	_ =	shalt  }
0x45: {  	_ =	shalt  }
0x46: {  	_ =	shalt  }
0x47: {  	_ =	shalt  }
0x48: {  	_ =	shalt  }
0x49: {  	_ =	shalt  }
0x4a: {  	_ =	shalt  }
0x4b: {  	_ =	shalt  }
0x4c: {  	_ =	shalt  }
0x4d: {  	_ =	shalt  }
0x4e: {  	_ =	shalt  }
0x4f: {  	_ =	shalt  }
0x50: {  	_ =	shalt  }
0x51: {  	_ =	shalt  }
0x52: {  	_ =	shalt  }
0x53: {  	_ =	shalt  }
0x54: {  	_ =	shalt  }
0x55: {  	_ =	shalt  }
0x56: {  	_ =	shalt  }
0x57: {  	_ =	shalt  }
0x58: {  	_ =	shalt  }
0x59: {  	_ =	shalt  }
0x5a: {  	_ =	shalt  }
0x5b: {  	_ =	shalt  }
0x5c: {  	_ =	shalt  }
0x5d: {  	_ =	shalt  }
0x5e: {  	_ =	shalt  }
0x5f: {  	_ =	shalt  }
0x60: {  	_ =	shalt  }
0x61: {  	_ =	shalt  }
0x62: {  	_ =	shalt  }
0x63: {  	_ =	shalt  }
0x64: {  	_ =	shalt  }
0x65: {  	_ =	shalt  }
0x66: {  	_ =	shalt  }
0x67: {  	_ =	shalt  }
0x68: {  	_ =	shalt  }
0x69: {  	_ =	shalt  }
0x6a: {  	_ =	shalt  }
0x6b: {  	_ =	shalt  }
0x6c: {  	_ =	shalt  }
0x6d: {  	_ =	shalt  }
0x6e: {  	_ =	shalt  }
0x6f: {  	_ =	shalt  }
0x70: {  	_ =	shalt  }
0x71: {  	_ =	shalt  }
0x72: {  	_ =	shalt  }
0x73: {  	_ =	shalt  }
0x74: {  	_ =	shalt  }
0x75: {  	_ =	shalt  }
0x76: {  	_ =	shalt  }
0x77: {  	_ =	shalt  }
0x78: {  	_ =	shalt  }
0x79: {  	_ =	shalt  }
0x7a: {  	_ =	shalt  }
0x7b: {  	_ =	shalt  }
0x7c: {  	_ =	shalt  }
0x7d: {  	_ =	shalt  }
0x7e: {  	_ =	shalt  }
0x7f: {  	_ =	shalt  }
0x80: {  	_ =	shalt  }
0x81: {  	_ =	shalt  }
0x82: {  	_ =	shalt  }
0x83: {  	_ =	shalt  }
0x84: {  	_ =	shalt  }
0x85: {  	_ =	shalt  }
0x86: {  	_ =	shalt  }
0x87: {  	_ =	shalt  }
.Lfunc_end0:
.L_simem_size_0:
called_computation_lowered:
.L_overlay_start_0:
0x88: {  	s2 =	sld [smem:$0x3FD9]  }
0x89: {  	s3 =	sld [smem:$0x3FFE];
	_ =	sdelay $0x1  }
0x8a: {  	s1 =	srdreg.scid  }
0x8b: {  	s0 =	sand.u32 $0x1, s1  }
0x8c: {  	s16 =	sshll.u32 s0, $0xA;
	s2 =	sadd.s32 s3, s2  }
0x8d: {  	s2 =	sadd.s32 s2, s16  }
0x8e: {  	[smem:$0x3FC0] =	sst s2  }
0x8f: {  	_ = 	snop  }
0x90: {  	(tm) =	ssettm $0x1  }
0x91: {  	s17 =	sld [smem:$0x3FFB];
	_ =	sdelay $0x3  }
0x92: {  	_ =	strace s17  }
0x93: {  	s2 =	sld [smem:$0x3FFC];
	_ =	sdelay $0x3  }
0x94: {  	_ =	strace s2  }
0x95: {  	s2 =	sld [smem:$0x3FFD];
	_ =	sdelay $0x3  }
0x96: {  	_ =	strace s2  }
0x97: {  	_ =	strace $0x8FFFFFFF  }
0x98: {  	s18 =	sld [smem:$0x3FDB];
	_ =	sdelay $0x1  }
0x99: {  	s19 =	simm.s32 $_scs_section_size  }
0x9a: {  	s4 =	simm.s32 $_size__tile_overlayer_lowered;
	s5 =	simm.s32 $_tile_overlayer_lowered  }
0x9b: {  	s22 =	simm.s32 $0x1BFF;
	s21 =	sshll.u32 s5, $0x1;
	s2 =	sadd.s32 s19, s18  }
0x9c: {  	s6 =	simm.s32 $0x0;
	s20 =	sshll.u32 s4, $0x1;
	s4 =	sadd.s32 s21, s2  }
0x9d: {  	[timem:s6], [sflag:s22] =	dma.local [hbm:s4], s20  }
0x9e: {  	_ =	swait.ge [sflag:s22], s20  }
0x9f: {  	s3 =	ssub.s32 $0x0, s20;
	[sflag:s22] =	ssyncset.done $0x0  }
0xa0: {  	[sflag:s22] =	ssyncadd.s32 s3;
	_ =	sdelay $0x1  }
0xa1: {  	s23 =	simm.s32 $0x1B8B  }
0xa2: {  	_ =	swait.ge [sflag:s23], $0x1  }
0xa3: {  	[sflag:s23] =	ssyncset.done $0x0  }
0xa4: {  	s25 =	simm.s32 $0x1B8E;
	s24 =	sld [smem:$0x3FFE];
	[sflag:s23] =	ssyncadd.s32 $0xFFFFFFFF  }
0xa5: {  	s26 =	simm.s32 $execute0_lowered;
	[smem:$0x3FD2] =	sst s25  }
0xa6: {  	s4 =	sshll.u32 s26, $0x1;
	_ =	strace $0x80000046;
	[dreg:$0x1] =	wrdreg $0xFFFFFFFF  }
0xa7: {  	s28 =	simm.s32 $_size_execute0_lowered;
	s2 =	sadd.s32 s2, s4;
	[dreg:$0x0] =	wrdreg $0x0  }
0xa8: {  	s4 =	sshll.u32 s28, $0x1;
	[dreg:$0x2] =	wrdreg s2  }
0xa9: {  	[dreg:$0x3] =	wrdreg s4  }
0xaa: {  	[dreg:$0x4] =	wrdreg $0xC0  }
0xab: {  	_ =	task [dreg:s6], $0x5FFFF  }
0xac: {  	[dreg:$0x1] =	wrdreg $0xFFFFFFFF  }
0xad: {  	[dreg:$0x0] =	wrdreg $0x60  }
0xae: {  	[dreg:$0x2] =	wrdreg s24  }
0xaf: {  	[dreg:$0x3] =	wrdreg $0x77B00  }
0xb0: {  	[dreg:$0x4] =	wrdreg $0x9EC00  }
0xb1: {  	[dreg:$0x5] =	wrdreg $0x9  }
0xb2: {  	_ =	task.clear_ibuf [dreg:s6], $0x6FFFF;
	_ =	strace $0x90000046  }
0xb3: {  	s29 =	simm.s32 $0x9;
	_ =	strace $0x80000048  }
0xb4: {  	_ =	swait.ge [sflag:s29], $0x1  }
0xb5: {  	[sflag:s29] =	ssyncadd.s32 $0xFFFFFFFF  }
0xb6: {  	_ =	strace $0x90000048  }
0xb7: {  	_ =	sfence  }
0xb8: {  	s30 =	sld [smem:$0x0];
	_ =	sdelay $0x2  }
0xb9: {  	s31 =	sshll.u32 s1, $0xD;
	s1 =	sshrl.u32 s1, $0x2  }
0xba: {  	s3 =	sand.u32 $0x4000, s31;
	s1 =	sadd.s32 s1, s30  }
0xbb: {  	s0 =	sor.u32 s3, s0;
	s1 =	sshll.u32 s1, $0x11  }
0xbc: {  	s0 =	sor.u32 s1, s0  }
0xbd: {  	s0 =	sadd.s32 $0x8F2B, s0  }
0xbe: {  	[sflag:s0] =	ssyncadd.remote.s32 $0x1  }
0xbf: {  	_ =	sfence.sel $0xFFFF  }
0xc0: {  	[dreg:$0x0] =	wrdreg $0xFFFFFFFF;
	(pc) =	sbr.abs _section_cstart, $3  }
0xc1: {  	[dreg:$0x1] =	wrdreg $0xFFFFFFFF  }
0xc2: {  	_ =	task.clear_ibuf [dreg:s6], $0x2FFFF;
	_ =	strace $0x9FFFFFFF  }
0xc3: {  	(tm) =	ssettm $0x7FFFFFFF  }
tec
execute0_lowered:
.L_overlay_start_1:
0x0: {  	(tag) =	ssettag $0x1  }
0x1: {  	s4 =	rddreg [dreg:$0x0]  }
0x2: {  	s0 =	srdreg.scid;
	s1 =	rddreg [dreg:$0x1]  }
0x3: {  	s15 =	stileid.u32;
	s2 =	rddreg [dreg:$0x2]  }
0x4: {  	s3 =	simm.s32 $0x0;
	s13 =	simm.s32 $0x2710;
	s14 =	simm.s32 $0x28  }
0x5: {  	s5 =	sand.u32 $0x1, s0;
	[smem:$0x7FF] =	sst s3;
	s9 =	smul.u32 $0x2710, s15  }
0x6: {  	p0 =	sne.s32 s15, $0x0;
	s0 =	sshll.u32 s5, $0x4;
	s7 =	smul.u32 $0x4E20, s5  }
0x7: {  	s5 =	ssub.s32 $0x2, s5;
	s16 =	sshrl.u32 @!p0 s1, $0x3;
	s17 =	sshrl.u32 @!p0 s2, $0x3  }
0x8: {  	s6 =	sor.u32 s15, s0;
	s0 =	rddreg [dreg:$0x3];
	_ =	strace $0x80000047  }
0x9: {  	s8 =	sshrl.u32 s5, $0x1;
	s15 =	simm.s32 $0x4E20;
	s6 =	smul.u32 $0x4E2, s6  }
0xa: {  	s11 =	sadd.s32 s7, s4;
	s12 =	ssub.s32 s5, s8;
	s5 =	sadd.s32 s9, s2  }
0xb: {  	s8 =	sadd.s32 $0x1FE00, s11;
	s10 =	sadd.s32 s6, s4;
	s4 =	sadd.s32 s9, s1  }
0xc: {  	s9 =	sadd.s32 $0x16000, s11;
	s11 =	simm.s32 $0x50A0;
	s6 =	sadd.s32 $0xC200, s10  }
0xd: {  	v0 =	vimm.f32 $0.0e+00;
	v1 =	vimm.f32 $1.000000000e+00;
	s7 =	sadd.s32 $0x2400, s10;
	s10 =	smax.u32 s12, $0x1;
	s12 =	simm.s32 $0x1  }
.LBB2_1:
0xe: {  	s18 =	simm.s32 $0x40;
	s19 =	simm.s32 $0x0  }
.LBB2_2:
0xf: {  	p1 =	sne.s32 s18, $0x9C00;
	[tilespmem:s19+$0x50A0] =	vst v0;
	s19 =	smov.u32 s18;
	s18 =	sadd.s32 $0x40, s18  }
.Ltmp0:
0x10: {  	(pc) =	sbr.rel @p1 .LBB2_2-.Ltmp0, $2  }
0x11: {  	_ =	sdelay $0x2  }
0x12: {  	s19 =	sshra.s32 s19, $0x2  }
0x13: {  	[tilespmem:s19+$0x50A0] =	vst v0  }
0x14: {  	[tilespmem:$0x4E20] =	vst v1  }
0x15: {  	[tilespmem:$0x4E30] =	vst v1  }
0x16: {  	[tilespmem:$0x4E40] =	vst v1  }
0x17: {  	[tilespmem:$0x4E50] =	vst v1  }
0x18: {  	[tilespmem:$0x4E60] =	vst v1  }
0x19: {  	[tilespmem:$0x4E70] =	vst v1  }
0x1a: {  	[tilespmem:$0x4E80] =	vst v1  }
0x1b: {  	[tilespmem:$0x4E90] =	vst v1  }
0x1c: {  	[tilespmem:$0x4EA0] =	vst v1  }
0x1d: {  	[tilespmem:$0x4EB0] =	vst v1  }
0x1e: {  	[tilespmem:$0x4EC0] =	vst v1  }
0x1f: {  	[tilespmem:$0x4ED0] =	vst v1  }
0x20: {  	[tilespmem:$0x4EE0] =	vst v1  }
0x21: {  	[tilespmem:$0x4EF0] =	vst v1  }
0x22: {  	[tilespmem:$0x4F00] =	vst v1  }
0x23: {  	[tilespmem:$0x4F10] =	vst v1  }
0x24: {  	[tilespmem:$0x4F20] =	vst v1  }
0x25: {  	[tilespmem:$0x4F30] =	vst v1  }
0x26: {  	[tilespmem:$0x4F40] =	vst v1  }
0x27: {  	[tilespmem:$0x4F50] =	vst v1  }
0x28: {  	[tilespmem:$0x4F60] =	vst v1  }
0x29: {  	[tilespmem:$0x4F70] =	vst v1  }
0x2a: {  	[tilespmem:$0x4F80] =	vst v1  }
0x2b: {  	[tilespmem:$0x4F90] =	vst v1  }
0x2c: {  	[tilespmem:$0x4FA0] =	vst v1  }
0x2d: {  	[tilespmem:$0x4FB0] =	vst v1  }
0x2e: {  	[tilespmem:$0x4FC0] =	vst v1  }
0x2f: {  	[tilespmem:$0x4FD0] =	vst v1  }
0x30: {  	[tilespmem:$0x4FE0] =	vst v1  }
0x31: {  	[tilespmem:$0x4FF0] =	vst v1  }
0x32: {  	[tilespmem:$0x5000] =	vst v1  }
0x33: {  	[tilespmem:$0x5010] =	vst v1  }
0x34: {  	[tilespmem:$0x5020] =	vst v1  }
0x35: {  	[tilespmem:$0x5030] =	vst v1  }
0x36: {  	[tilespmem:$0x5040] =	vst v1  }
0x37: {  	[tilespmem:$0x5050] =	vst v1  }
0x38: {  	[tilespmem:$0x5060] =	vst v1  }
0x39: {  	[tilespmem:$0x5070] =	vst v1  }
0x3a: {  	[tilespmem:$0x5080] =	vst v1  }
0x3b: {  	[tilespmem:$0x5090] =	vst v1  }
0x3c: {  	[spmem:s4] =	stream.linear.scatter [tilespmem:s11], [sflag:$0x1], $0x2710, $0x38;
	[tilespmem:$0xC5D0] =	vst v63  }
0x3d: {  	_ =	swait.ge [sflag:s12], $0x2710  }
0x3e: {  	[sflag:s12] =	ssyncset.done $0x0  }
0x3f: {  	[sflag:s12] =	ssyncadd.s32 $0xFFFFD8F0  }
0x40: {  	[spmem:s5] =	stream.linear.scatter [tilespmem:s11], [sflag:$0x1], $0x2710, $0x38;
	[tilespmem:$0xC5D0] =	vst v63  }
0x41: {  	_ =	swait.ge [sflag:s12], $0x2710  }
0x42: {  	[sflag:s12] =	ssyncset.done $0x0  }
0x43: {  	s18 =	simm.s32 $0x0;
	[sflag:s12] =	ssyncadd.s32 $0xFFFFD8F0  }
0x44: {  	[tilespmem:s18], [sflag:$0x1] =	stream.linear.gather [hbm4b:s6+s18], $0x2710, $0x38;
	[tilespmem:$0xC5D0] =	vst v63  }
0x45: {  	_ =	swait.ge [sflag:s12], $0x2710  }
0x46: {  	[sflag:s12] =	ssyncset.done $0x0  }
0x47: {  	[sflag:s12] =	ssyncadd.s32 $0xFFFFD8F0  }
0x48: {  	[tilespmem:s13], [sflag:$0x1] =	stream.linear.gather [hbm4b:s7+s18], $0x2710, $0x38;
	[tilespmem:$0xC5D0] =	vst v63  }
0x49: {  	_ =	swait.ge [sflag:s12], $0x2710  }
0x4a: {  	[sflag:s12] =	ssyncset.done $0x0  }
0x4b: {  	[sflag:s12] =	ssyncadd.s32 $0xFFFFD8F0  }
0x4c: {  	s30 =	simm.s32 $0x0;
	[bflag:$0x0] =	sbarrier.arrive $0xFFFF  }
0x4d: {  	[spmem:s1] =	stream.indirect.scatter.add.f32 [tilespmem:s15], [sflag:$0x1], $0x10, s30, s14, $0xb8;
	[tilespmem:$0xC5D0] =	vst v63  }
0x4e: {  	_ =	swait.ge [sflag:s12], $0x280  }
0x4f: {  	[sflag:s12] =	ssyncset.done $0x0  }
0x50: {  	s31 =	simm.s32 $0x2710;
	[sflag:s12] =	ssyncadd.s32 $0xFFFFFD80  }
0x51: {  	[spmem:s2] =	stream.indirect.scatter.add.f32 [tilespmem:s15], [sflag:$0x1], $0x10, s31, s14, $0xb8;
	[tilespmem:$0xC5D0] =	vst v63  }
0x52: {  	_ =	swait.ge [sflag:s12], $0x280  }
0x53: {  	s19 =	simm.s32 $0x140;
	s18 =	simm.s32 $0xA0;
	[sflag:s12] =	ssyncset.done $0x0  }
.LBB2_4:
0x54: {  	s20 =	sshra.s32 s18, $0x2  }
0x55: {  	[sflag:s12] =	ssyncadd.s32 $0xFFFFFD80;
	s18 =	smov.u32 s19;
	s21 =	sadd.s32 $0xA0, s19  }
0x56: {  	[spmem:s1] =	stream.indirect.scatter.add.f32 [tilespmem:s15], [sflag:$0x1], $0x10, s20, s14, $0xb8;
	[tilespmem:$0xC5D0] =	vst v63  }
0x57: {  	p1 =	sne.s32 s19, $0x9BA0;
	_ =	swait.ge [sflag:s12], $0x280  }
.Ltmp1:
0x58: {  	[sflag:s12] =	ssyncset.done $0x0;
	(pc) =	sbr.rel @p1 .LBB2_4-.Ltmp1, $4  }
0x59: {  	s19 =	sadd.s32 $0x2710, s20;
	[sflag:s12] =	ssyncadd.s32 $0xFFFFFD80  }
0x5a: {  	[spmem:s2] =	stream.indirect.scatter.add.f32 [tilespmem:s15], [sflag:$0x1], $0x10, s19, s14, $0xb8;
	[tilespmem:$0xC5D0] =	vst v63  }
0x5b: {  	_ =	swait.ge [sflag:s12], $0x280  }
0x5c: {  	s19 =	smov.u32 s21;
	[sflag:s12] =	ssyncset.done $0x0  }
0x5d: {  	s18 =	sshra.s32 s18, $0x2;
	[sflag:s12] =	ssyncadd.s32 $0xFFFFFD80  }
0x5e: {  	[spmem:s1] =	stream.indirect.scatter.add.f32 [tilespmem:s15], [sflag:$0x1], $0x10, s18, s14, $0xb8;
	[tilespmem:$0xC5D0] =	vst v63  }
0x5f: {  	_ =	swait.ge [sflag:s12], $0x280  }
0x60: {  	[sflag:s12] =	ssyncset.done $0x0  }
0x61: {  	s18 =	sadd.s32 $0x2710, s18;
	[sflag:s12] =	ssyncadd.s32 $0xFFFFFD80  }
0x62: {  	[spmem:s2] =	stream.indirect.scatter.add.f32 [tilespmem:s15], [sflag:$0x1], $0x10, s18, s14, $0xb8;
	[tilespmem:$0xC5D0] =	vst v63  }
0x63: {  	_ =	swait.ge [sflag:s12], $0x280  }
0x64: {  	[sflag:s12] =	ssyncset.done $0x0  }
0x65: {  	[sflag:s12] =	ssyncadd.s32 $0xFFFFFD80  }
0x66: {  	s19 =	simm.s32 @!p0 $0x1;
	s18 =	simm.s32 @!p0 $0x1C01;
	[bflag:$0x0] =	sbarrier.arrive $0xFFFF  }
0x67: {  	[hbm:s8], [sflag:s18] =	dma.local @!p0 [spmem:s16], $0x4E20  }
0x68: {  	s3 =	sadd.s32 $0x1, s3;
	_ =	swait.ge @!p0 [sflag:s19], $0x4E20  }
0x69: {  	p1 =	sne.s32 s3, s10;
	[sflag:s19] =	ssyncset.done @!p0 $0x0  }
.Ltmp2:
0x6a: {  	[sflag:s19] =	ssyncadd.s32 @!p0 $0xFFFFB1E0;
	(pc) =	sbr.rel @p1 .LBB2_1-.Ltmp2, $4  }
0x6b: {  	[hbm:s9], [sflag:s18] =	dma.local @!p0 [spmem:s17], $0x4E20  }
0x6c: {  	_ =	swait.ge @!p0 [sflag:s19], $0x4E20  }
0x6d: {  	[sflag:s19] =	ssyncset.done @!p0 $0x0  }
0x6e: {  	[sflag:s19] =	ssyncadd.s32 @!p0 $0xFFFFB1E0  }
0x6f: {  	_ =	sfence.sel $0x180000  }
0x70: {  	[bflag:$0x0] =	sbarrier.arrive $0xFFFF  }
0x71: {  	_ =	strace $0x90000047  }
0x72: {  	s0 =	sadd.s32 @!p0 $0x100000, s0;
	[bflag:$0x2] =	sbarrier.arrive $0xFFFF  }
0x73: {  	[sflag:s0] =	ssyncadd.tile.s32 @!p0 $0x1;
	_ =	shalt  }
.Lfunc_end2:
_tile_overlayer_lowered:
.L_overlay_start_2:
0x74: {  	(tag) =	ssettag $0x2  }
0x75: {  	s0 =	rddreg [dreg:$0x0];
	s2 =	stileid.u32  }
0x76: {  	s1 =	rddreg [dreg:$0x1];
	p0 =	sne.s32 s2, $0x0  }
0x77: {  	s3 =	rddreg [dreg:$0x2];
	[bflag:$0x3] =	sbarrier.arrive $0xFFFF;
	s2 =	simm.s32 @!p0 $0x1C01  }
0x78: {  	[timem:s3], [sflag:s2] =	dma.local @!p0 [hbm:s0], s1  }
0x79: {  	s0 =	simm.s32 @!p0 $0x1  }
0x7a: {  	_ =	swait.ge @!p0 [sflag:s0], s1  }
0x7b: {  	s1 =	ssub.s32 @!p0 $0x0, s1;
	[sflag:s0] =	ssyncset.done @!p0 $0x0  }
0x7c: {  	[sflag:s0] =	ssyncadd.s32 @!p0 s1  }
0x7d: {  	[bflag:$0x3] =	sbarrier.arrive $0xFFFF  }
0x7e: {  	_ =	shalt  }

</sc_bundles>
